<compile_context>
chip_gen: v7x
topology: tpu7x:2x2x1
jax: 0.10.2.dev20260603
libtpu: 0.0.44.dev20260713+nightly
codegen_flags: <defaults>
</compile_context>

<pallas_src>
import functools

import jax
import jax.numpy as jnp
from jax import lax
from jax.experimental import pallas as pl
from jax.experimental.pallas import tpu as pltpu
from jax.experimental.pallas import tpu_sc as plsc

N = 10000
NPAD = 10240
E = 320000
D_IN = 128
D_H = 64
D_OUT = 32
G = 64

NC = 2
NS = 16
NW = NC * NS
CH = 128
NCH = 80
EPT2 = NCH * CH
E2 = NW * EPT2
PADNODE = 10016
RZ = NPAD // NS

_MESH = dict(core_axis_name="c", subcore_axis_name="s", num_cores=NC,
             num_subcores=NS)


def _make_deg_kernel(interpret=False):
  mesh = plsc.VectorSubcoreMesh(**_MESH)

  @functools.partial(
      pl.kernel,
      out_type=jax.ShapeDtypeStruct((NC, NPAD, 16), jnp.float32),
      mesh=mesh,
      interpret=interpret,
      compiler_params=pltpu.CompilerParams(use_tc_tiling_on_sc=False),
      scratch_types=[
          pltpu.VMEM((CH, 16), jnp.float32),
          pltpu.VMEM((NCH, CH), jnp.int32),
          pltpu.VMEM_SHARED((NPAD, 16), jnp.float32),
          pltpu.SemaphoreType.DMA,
      ],
  )
  def deg_kernel(dst_hbm, ones_hbm, zeros_hbm, out_hbm, ones_v, didx, acc,
                 dsem):
    c = lax.axis_index("c")
    s = lax.axis_index("s")
    wid = s * NC + c
    descs = [
        pltpu.async_copy(zeros_hbm.at[pl.ds(0, RZ)],
                         acc.at[pl.ds(s * RZ, RZ)], dsem),
        pltpu.async_copy(ones_hbm, ones_v, dsem),
        pltpu.async_copy(dst_hbm.at[wid], didx, dsem),
    ]
    for d in descs:
      d.wait()
    plsc.subcore_barrier()

    def body(k4, carry):
      for j in range(4):
        pltpu.async_copy(ones_v, acc.at[didx.at[k4 * 4 + j]], dsem, add=True)
      for j in range(4):
        pltpu.make_async_copy(ones_v, acc.at[didx.at[k4 * 4 + j]],
                              dsem).wait()
      return carry

    lax.fori_loop(0, NCH // 4, body, 0)
    plsc.subcore_barrier()
    pltpu.sync_copy(acc.at[pl.ds(s * RZ, RZ)],
                    out_hbm.at[c, pl.ds(s * RZ, RZ)])

  return deg_kernel


def _make_scatter_kernel(D, interpret=False):
  mesh = plsc.VectorSubcoreMesh(**_MESH)

  @functools.partial(
      pl.kernel,
      out_type=jax.ShapeDtypeStruct((NC, NPAD, D), jnp.float32),
      mesh=mesh,
      interpret=interpret,
      compiler_params=pltpu.CompilerParams(use_tc_tiling_on_sc=False),
      scratch_types=[
          pltpu.VMEM((EPT2,), jnp.int32),
          pltpu.VMEM((NCH, CH), jnp.int32),
          pltpu.VMEM((CH, D), jnp.float32),
          pltpu.VMEM((CH, D), jnp.float32),
          pltpu.VMEM_SHARED((NPAD, D), jnp.float32),
          pltpu.VMEM_SHARED((NPAD, D), jnp.float32),
          pltpu.SemaphoreType.DMA,
          pltpu.SemaphoreType.DMA,
      ],
  )
  def scat_kernel(g_hbm, src_hbm, dst_hbm, zeros_hbm, out_hbm,
                  sidx, didx, rows0, rows1, acc, g_sh,
                  gsem0, gsem1):
    c = lax.axis_index("c")
    s = lax.axis_index("s")
    wid = s * NC + c
    rows = (rows0, rows1)
    gsem = (gsem0, gsem1)
    prologue = (
        lambda sem: pltpu.async_copy(src_hbm.at[pl.ds(wid * EPT2, EPT2)],
                                     sidx, sem),
        lambda sem: pltpu.async_copy(dst_hbm.at[wid], didx, sem),
        lambda sem: pltpu.async_copy(zeros_hbm.at[pl.ds(0, RZ)],
                                     acc.at[pl.ds(s * RZ, RZ)], sem),
        lambda sem: pltpu.async_copy(g_hbm.at[pl.ds(s * RZ, RZ)],
                                     g_sh.at[pl.ds(s * RZ, RZ)], sem),
    )
    descs = [issue(gsem0) for issue in prologue]
    for d in descs:
      d.wait()
    plsc.subcore_barrier()

    def gather(k, j):
      pltpu.async_copy(g_sh.at[sidx.at[pl.ds(k * CH, CH)]], rows[j], gsem[j])

    def consume(k, j, prefetch):
      pltpu.make_async_copy(g_sh.at[sidx.at[pl.ds(0, CH)]], rows[j],
                            gsem[j]).wait()
      pltpu.sync_copy(rows[j], acc.at[didx.at[k]], add=True)
      if prefetch:
        gather(k + 2, j)

    gather(0, 0)
    gather(1, 1)

    def body(k2, carry):
      consume(k2 * 2, 0, True)
      consume(k2 * 2 + 1, 1, True)
      return carry

    lax.fori_loop(0, NCH // 2 - 1, body, 0)
    consume(NCH - 2, 0, False)
    consume(NCH - 1, 1, False)
    plsc.subcore_barrier()
    pltpu.sync_copy(acc.at[pl.ds(s * RZ, RZ)],
                    out_hbm.at[c, pl.ds(s * RZ, RZ)])

  return scat_kernel




def _tc1_body(x_ref, w_ref, d_ref, g_ref, dinv_ref):
  deg = d_ref[0] + d_ref[1] + 1.0
  dinv = lax.rsqrt(deg)
  h = jnp.dot(x_ref[...], w_ref[...], preferred_element_type=jnp.float32)
  g_ref[0:N, :] = h * dinv[0:N, 0:1]
  g_ref[N:NPAD, :] = jnp.zeros((NPAD - N, D_H), jnp.float32)
  dinv_ref[...] = dinv


def _tc1(x, W1, degp, interpret=False):
  return pl.pallas_call(
      _tc1_body,
      out_shape=[
          jax.ShapeDtypeStruct((NPAD, D_H), jnp.float32),
          jax.ShapeDtypeStruct((NPAD, 16), jnp.float32),
      ],
      interpret=interpret,
  )(x, W1, degp)


def _tc2_body(s_ref, g1_ref, dinv_ref, b1_ref, w2_ref, g2_ref):
  dinv = dinv_ref[:, 0:1]
  t = (s_ref[0] + s_ref[1] + g1_ref[...]) * dinv + b1_ref[...]
  r = jnp.maximum(t, 0.0)
  h2 = jnp.dot(r, w2_ref[...], preferred_element_type=jnp.float32)
  g2_ref[...] = h2 * dinv


def _tc2(s1, g1, dinv16, b1_2d, W2, interpret=False):
  return pl.pallas_call(
      _tc2_body,
      out_shape=jax.ShapeDtypeStruct((NPAD, D_OUT), jnp.float32),
      interpret=interpret,
  )(s1, g1, dinv16, b1_2d, W2)


def _tc3_body(s_ref, g2_ref, dinv_ref, b2_ref, info_ref, out_ref):
  dinv = dinv_ref[0:N, 0:1]
  out2 = (s_ref[0, 0:N] + s_ref[1, 0:N] + g2_ref[0:N]) * dinv + b2_ref[...]
  gids = lax.broadcasted_iota(jnp.int32, (G, N), 0).astype(jnp.float32)
  onehot = (gids == info_ref[...]).astype(jnp.float32)
  sums = jnp.dot(onehot, out2, preferred_element_type=jnp.float32)
  counts = jnp.sum(onehot, axis=1, keepdims=True)
  out_ref[...] = sums / jnp.maximum(counts, 1.0)


def _tc3(s2, g2, dinv16, b2_2d, info_f, interpret=False):
  return pl.pallas_call(
      _tc3_body,
      out_shape=jax.ShapeDtypeStruct((G, D_OUT), jnp.float32),
      interpret=interpret,
  )(s2, g2, dinv16, b2_2d, info_f)


def kernel(x, edge_index, info_batch, W1, b1, W2, b2):
  pad = jnp.full((E2 - E,), PADNODE, dtype=jnp.int32)
  srcp = jnp.concatenate([edge_index[0], pad])
  dst3 = jnp.concatenate([edge_index[1], pad]).reshape(NW, NCH, CH)

  ones16 = jnp.ones((CH, 16), dtype=jnp.float32)
  zeros16 = jnp.zeros((RZ, 16), dtype=jnp.float32)
  zeros_h = jnp.zeros((RZ, D_H), dtype=jnp.float32)
  zeros_o = jnp.zeros((RZ, D_OUT), dtype=jnp.float32)

  degp = _make_deg_kernel()(dst3, ones16, zeros16)
  g1, dinv16 = _tc1(x, W1, degp)
  s1 = _make_scatter_kernel(D_H)(g1, srcp, dst3, zeros_h)
  g2 = _tc2(s1, g1, dinv16, b1.reshape(1, D_H), W2)
  s2 = _make_scatter_kernel(D_OUT)(g2, srcp, dst3, zeros_o)
  out = _tc3(s2, g2, dinv16, b2.reshape(1, D_OUT),
             info_batch.astype(jnp.float32).reshape(1, N))
  return out

# --- scband reference (transcript-rebuilt; emitter-appended) ---
"""Pipeline reference for scband-gcn-13580686590589 (READ-ONLY COPY).

The authoritative reference and input builder live on the scoring server;
editing this copy changes nothing except your own understanding.
"""

import jax, jax.numpy as jnp
import numpy as np

NUM_NODES = 10000
NUM_EDGES = 320000
D_IN = 128
D_H = 64   # utils.dim_firstConvGCN
D_OUT = 32 # utils.dim_lastConvGCN
NUM_GRAPHS = 64


def setup_inputs(seed: int = 0) -> dict:
    key = jax.random.key(seed)
    k1, k2, k3, k4, k5, k6, k7 = jax.random.split(key, 7)
    x = jax.random.normal(k1, (NUM_NODES, D_IN), dtype=jnp.float32)
    edge_index = jax.random.randint(k2, (2, NUM_EDGES), 0, NUM_NODES, dtype=jnp.int32)
    info_batch = jnp.sort(jax.random.randint(k3, (NUM_NODES,), 0, NUM_GRAPHS, dtype=jnp.int32))
    W1 = jax.random.normal(k4, (D_IN, D_H), dtype=jnp.float32) * 0.05
    b1 = jnp.zeros((D_H,), dtype=jnp.float32)
    W2 = jax.random.normal(k5, (D_H, D_OUT), dtype=jnp.float32) * 0.05
    b2 = jnp.zeros((D_OUT,), dtype=jnp.float32)
    return {"x": x, "edge_index": edge_index, "info_batch": info_batch,
            "W1": W1, "b1": b1, "W2": W2, "b2": b2}


def _gcn_conv(x, edge_index, W, b):
    # GCNConv: out = D^{-1/2} (A + I) D^{-1/2} X W + b
    n = x.shape[0]
    loop = jnp.arange(n, dtype=edge_index.dtype)
    src = jnp.concatenate([edge_index[0], loop])
    dst = jnp.concatenate([edge_index[1], loop])
    deg = jnp.zeros((n,), dtype=x.dtype).at[dst].add(1.0)
    dinv = jnp.where(deg > 0, 1.0 / jnp.sqrt(deg), 0.0)
    norm = dinv[src] * dinv[dst]
    h = x @ W
    msgs = h[src] * norm[:, None]
    out = jnp.zeros((n, h.shape[1]), dtype=x.dtype).at[dst].add(msgs)
    return out + b


def reference(x, edge_index, info_batch, W1, b1, W2, b2):
    h = _gcn_conv(x, edge_index, W1, b1)
    h = jax.nn.relu(h)
    h = _gcn_conv(h, edge_index, W2, b2)
    # global_mean_pool over info_batch
    sums = jax.ops.segment_sum(h, info_batch, num_segments=NUM_GRAPHS)
    counts = jax.ops.segment_sum(jnp.ones((NUM_NODES, 1), dtype=h.dtype), info_batch, num_segments=NUM_GRAPHS)
    return sums / jnp.maximum(counts, 1.0)

if __name__ == "__main__":
    import jax
    _d = setup_inputs()
    print(jax.jit(kernel)(*tuple(_d.values())))

</pallas_src>

<mosaic_0001>
#map = affine_map<(d0, d1) -> (0, 0)>
#map1 = affine_map<(d0, d1) -> (0)>
#map2 = affine_map<(d0, d1) -> (0, 0, 0)>
module attributes {stable_mosaic.version = 14 : i64} {
  func.func @scat_kernel(%arg0: i32, %arg1: i32, %arg2: memref<10240x64xf32, #tpu.memory_space<hbm>>, %arg3: memref<327680xi32, #tpu.memory_space<hbm>>, %arg4: memref<32x80x128xi32, #tpu.memory_space<hbm>>, %arg5: memref<640x64xf32, #tpu.memory_space<hbm>>, %arg6: memref<2x10240x64xf32, #tpu.memory_space<hbm>>, %arg7: memref<10240xi32, #tpu.memory_space<vmem>>, %arg8: memref<80x128xi32, #tpu.memory_space<vmem>>, %arg9: memref<128x64xf32, #tpu.memory_space<vmem>>, %arg10: memref<128x64xf32, #tpu.memory_space<vmem>>, %arg11: memref<10240x64xf32, #tpu.memory_space<vmem_shared>>, %arg12: memref<10240x64xf32, #tpu.memory_space<vmem_shared>>, %arg13: memref<!tpu.dma_semaphore, #tpu.memory_space<semaphore_mem>>, %arg14: memref<!tpu.dma_semaphore, #tpu.memory_space<semaphore_mem>>) attributes {dimension_semantics = [#tpu.dimension_semantics<core_parallel>, #tpu.dimension_semantics<subcore_parallel>], iteration_bounds = array<i64: 2, 16>, scalar_prefetch = 0 : i64, scratch_operands = 8 : i64, tpu.core_type = #tpu.core_type<sc_vector_subcore>, window_params = [{transform_indices = #map}, {transform_indices = #map1}, {transform_indices = #map2}, {transform_indices = #map}, {transform_indices = #map2}]} {
    %mul3A = arith.constant 2 : i32
    %mul3A_0 = arith.muli %arg1, %mul3A : i32
    %add3A = arith.addi %mul3A_0, %arg0 : i32
    %mul3A_1 = arith.constant 10240 : i32
    %mul3A_2 = arith.muli %add3A, %mul3A_1 : i32
    %dma_start3A = tpu.memref_slice %arg3[%mul3A_2] : memref<327680xi32, #tpu.memory_space<hbm>> -> memref<10240xi32, #tpu.memory_space<hbm>>
    %dma_start3A_3 = tpu.memref_slice %arg3[%mul3A_2] : memref<327680xi32, #tpu.memory_space<hbm>> -> memref<10240xi32, #tpu.memory_space<hbm>>
    tpu.enqueue_dma source(%dma_start3A_3 : memref<10240xi32, #tpu.memory_space<hbm>>) target(%arg7 : memref<10240xi32, #tpu.memory_space<vmem>>) target_semaphore(%arg13 : memref<!tpu.dma_semaphore, #tpu.memory_space<semaphore_mem>>)
    %dma_start3A_4 = arith.constant 0 : i32
    %dma_start3A_5 = arith.constant 0 : i32
    %dma_start3A_6 = tpu.memref_slice %arg4[%add3A, %dma_start3A_4, %dma_start3A_5] : memref<32x80x128xi32, #tpu.memory_space<hbm>> -> memref<1x80x128xi32, #tpu.memory_space<hbm>>
    %dma_start3A_7 = tpu.memref_squeeze %dma_start3A_6 : memref<1x80x128xi32, #tpu.memory_space<hbm>> -> memref<80x128xi32, #tpu.memory_space<hbm>>
    %dma_start3A_8 = arith.constant 0 : i32
    %dma_start3A_9 = arith.constant 0 : i32
    %dma_start3A_10 = tpu.memref_slice %arg4[%add3A, %dma_start3A_8, %dma_start3A_9] : memref<32x80x128xi32, #tpu.memory_space<hbm>> -> memref<1x80x128xi32, #tpu.memory_space<hbm>>
    %dma_start3A_11 = tpu.memref_squeeze %dma_start3A_10 : memref<1x80x128xi32, #tpu.memory_space<hbm>> -> memref<80x128xi32, #tpu.memory_space<hbm>>
    tpu.enqueue_dma source(%dma_start3A_11 : memref<80x128xi32, #tpu.memory_space<hbm>>) target(%arg8 : memref<80x128xi32, #tpu.memory_space<vmem>>) target_semaphore(%arg13 : memref<!tpu.dma_semaphore, #tpu.memory_space<semaphore_mem>>)
    %mul3A_12 = arith.constant 640 : i32
    %mul3A_13 = arith.muli %arg1, %mul3A_12 : i32
    %dma_start3A_14 = arith.constant 0 : i32
    %dma_start3A_15 = tpu.memref_slice %arg11[%mul3A_13, %dma_start3A_14] : memref<10240x64xf32, #tpu.memory_space<vmem_shared>> -> memref<640x64xf32, #tpu.memory_space<vmem_shared>>
    %dma_start3A_16 = arith.constant 0 : i32
    %dma_start3A_17 = arith.constant 0 : i32
    %dma_start3A_18 = tpu.memref_slice %arg5[%dma_start3A_16, %dma_start3A_17] : memref<640x64xf32, #tpu.memory_space<hbm>> -> memref<640x64xf32, #tpu.memory_space<hbm>>
    tpu.enqueue_dma source(%dma_start3A_18 : memref<640x64xf32, #tpu.memory_space<hbm>>) target(%dma_start3A_15 : memref<640x64xf32, #tpu.memory_space<vmem_shared>>) target_semaphore(%arg13 : memref<!tpu.dma_semaphore, #tpu.memory_space<semaphore_mem>>)
    %mul3A_19 = arith.constant 640 : i32
    %mul3A_20 = arith.muli %arg1, %mul3A_19 : i32
    %mul3A_21 = arith.constant 640 : i32
    %mul3A_22 = arith.muli %arg1, %mul3A_21 : i32
    %dma_start3A_23 = arith.constant 0 : i32
    %dma_start3A_24 = tpu.memref_slice %arg12[%mul3A_22, %dma_start3A_23] : memref<10240x64xf32, #tpu.memory_space<vmem_shared>> -> memref<640x64xf32, #tpu.memory_space<vmem_shared>>
    %dma_start3A_25 = arith.constant 0 : i32
    %dma_start3A_26 = tpu.memref_slice %arg2[%mul3A_20, %dma_start3A_25] : memref<10240x64xf32, #tpu.memory_space<hbm>> -> memref<640x64xf32, #tpu.memory_space<hbm>>
    tpu.enqueue_dma source(%dma_start3A_26 : memref<640x64xf32, #tpu.memory_space<hbm>>) target(%dma_start3A_24 : memref<640x64xf32, #tpu.memory_space<vmem_shared>>) target_semaphore(%arg13 : memref<!tpu.dma_semaphore, #tpu.memory_space<semaphore_mem>>)
    %dma_wait3A = tpu.memref_slice %arg3[%mul3A_2] : memref<327680xi32, #tpu.memory_space<hbm>> -> memref<10240xi32, #tpu.memory_space<hbm>>
    %dma_wait3A_27 = tpu.memref_slice %arg3[%mul3A_2] : memref<327680xi32, #tpu.memory_space<hbm>> -> memref<10240xi32, #tpu.memory_space<hbm>>
    tpu.wait_dma2 semaphore(%arg13 : memref<!tpu.dma_semaphore, #tpu.memory_space<semaphore_mem>>) src(%dma_wait3A_27 : memref<10240xi32, #tpu.memory_space<hbm>>) dst(%arg7 : memref<10240xi32, #tpu.memory_space<vmem>>)
    %dma_wait3A_28 = arith.constant 0 : i32
    %dma_wait3A_29 = arith.constant 0 : i32
    %dma_wait3A_30 = tpu.memref_slice %arg4[%add3A, %dma_wait3A_28, %dma_wait3A_29] : memref<32x80x128xi32, #tpu.memory_space<hbm>> -> memref<1x80x128xi32, #tpu.memory_space<hbm>>
    %dma_wait3A_31 = tpu.memref_squeeze %dma_wait3A_30 : memref<1x80x128xi32, #tpu.memory_space<hbm>> -> memref<80x128xi32, #tpu.memory_space<hbm>>
    %dma_wait3A_32 = arith.constant 0 : i32
    %dma_wait3A_33 = arith.constant 0 : i32
    %dma_wait3A_34 = tpu.memref_slice %arg4[%add3A, %dma_wait3A_32, %dma_wait3A_33] : memref<32x80x128xi32, #tpu.memory_space<hbm>> -> memref<1x80x128xi32, #tpu.memory_space<hbm>>
    %dma_wait3A_35 = tpu.memref_squeeze %dma_wait3A_34 : memref<1x80x128xi32, #tpu.memory_space<hbm>> -> memref<80x128xi32, #tpu.memory_space<hbm>>
    tpu.wait_dma2 semaphore(%arg13 : memref<!tpu.dma_semaphore, #tpu.memory_space<semaphore_mem>>) src(%dma_wait3A_35 : memref<80x128xi32, #tpu.memory_space<hbm>>) dst(%arg8 : memref<80x128xi32, #tpu.memory_space<vmem>>)
    %dma_wait3A_36 = arith.constant 0 : i32
    %dma_wait3A_37 = tpu.memref_slice %arg11[%mul3A_13, %dma_wait3A_36] : memref<10240x64xf32, #tpu.memory_space<vmem_shared>> -> memref<640x64xf32, #tpu.memory_space<vmem_shared>>
    %dma_wait3A_38 = arith.constant 0 : i32
    %dma_wait3A_39 = arith.constant 0 : i32
    %dma_wait3A_40 = tpu.memref_slice %arg5[%dma_wait3A_38, %dma_wait3A_39] : memref<640x64xf32, #tpu.memory_space<hbm>> -> memref<640x64xf32, #tpu.memory_space<hbm>>
    tpu.wait_dma2 semaphore(%arg13 : memref<!tpu.dma_semaphore, #tpu.memory_space<semaphore_mem>>) src(%dma_wait3A_40 : memref<640x64xf32, #tpu.memory_space<hbm>>) dst(%dma_wait3A_37 : memref<640x64xf32, #tpu.memory_space<vmem_shared>>)
    %dma_wait3A_41 = arith.constant 0 : i32
    %dma_wait3A_42 = tpu.memref_slice %arg12[%mul3A_22, %dma_wait3A_41] : memref<10240x64xf32, #tpu.memory_space<vmem_shared>> -> memref<640x64xf32, #tpu.memory_space<vmem_shared>>
    %dma_wait3A_43 = arith.constant 0 : i32
    %dma_wait3A_44 = tpu.memref_slice %arg2[%mul3A_20, %dma_wait3A_43] : memref<10240x64xf32, #tpu.memory_space<hbm>> -> memref<640x64xf32, #tpu.memory_space<hbm>>
    tpu.wait_dma2 semaphore(%arg13 : memref<!tpu.dma_semaphore, #tpu.memory_space<semaphore_mem>>) src(%dma_wait3A_44 : memref<640x64xf32, #tpu.memory_space<hbm>>) dst(%dma_wait3A_42 : memref<640x64xf32, #tpu.memory_space<vmem_shared>>)
    %barrier3A = arith.constant 0 : index
    tpu.barrier barrier_id(%barrier3A)
    %dma_start3A_45 = arith.constant 0 : i32
    %dma_start3A_46 = tpu.memref_slice %arg7[%dma_start3A_45] : memref<10240xi32, #tpu.memory_space<vmem>> -> memref<128xi32, #tpu.memory_space<vmem>>
    %dma_start3A_47 = arith.constant 0 : i32
    %dma_start3A_48 = arith.constant 0 : i32
    %dma_start3A_49 = tpu.memref_slice %arg12[%dma_start3A_47, %dma_start3A_48] : memref<10240x64xf32, #tpu.memory_space<vmem_shared>> -> memref<10240x64xf32, #tpu.memory_space<vmem_shared>>
    tpu.enqueue_indirect_dma source(%dma_start3A_49 : memref<10240x64xf32, #tpu.memory_space<vmem_shared>>) target(%arg9 : memref<128x64xf32, #tpu.memory_space<vmem>>) offsets(%dma_start3A_46 : memref<128xi32, #tpu.memory_space<vmem>>) semaphore(%arg13 : memref<!tpu.dma_semaphore, #tpu.memory_space<semaphore_mem>>)
    %dma_start3A_50 = arith.constant 128 : i32
    %dma_start3A_51 = tpu.memref_slice %arg7[%dma_start3A_50] : memref<10240xi32, #tpu.memory_space<vmem>> -> memref<128xi32, #tpu.memory_space<vmem>>
    %dma_start3A_52 = arith.constant 0 : i32
    %dma_start3A_53 = arith.constant 0 : i32
    %dma_start3A_54 = tpu.memref_slice %arg12[%dma_start3A_52, %dma_start3A_53] : memref<10240x64xf32, #tpu.memory_space<vmem_shared>> -> memref<10240x64xf32, #tpu.memory_space<vmem_shared>>
    tpu.enqueue_indirect_dma source(%dma_start3A_54 : memref<10240x64xf32, #tpu.memory_space<vmem_shared>>) target(%arg10 : memref<128x64xf32, #tpu.memory_space<vmem>>) offsets(%dma_start3A_51 : memref<128xi32, #tpu.memory_space<vmem>>) semaphore(%arg14 : memref<!tpu.dma_semaphore, #tpu.memory_space<semaphore_mem>>)
    %scan3A = arith.constant 0 : i32
    %scan3A_55 = arith.constant 0 : i32
    %scan3A_56 = arith.constant 39 : i32
    %scan3A_57 = arith.addi %scan3A_55, %scan3A_56 : i32
    %scan3A_58 = arith.constant 1 : i32
    scf.for %scan3A_76 = %scan3A_55 to %scan3A_57 step %scan3A_58  : i32 {
      %mul3A_77 = arith.constant 2 : i32
      %mul3A_78 = arith.muli %scan3A_76, %mul3A_77 : i32
      %dma_wait3A_79 = arith.constant 0 : i32
      %dma_wait3A_80 = tpu.memref_slice %arg7[%dma_wait3A_79] : memref<10240xi32, #tpu.memory_space<vmem>> -> memref<128xi32, #tpu.memory_space<vmem>>
      %dma_wait3A_81 = arith.constant 0 : i32
      %dma_wait3A_82 = arith.constant 0 : i32
      %dma_wait3A_83 = tpu.memref_slice %arg12[%dma_wait3A_81, %dma_wait3A_82] : memref<10240x64xf32, #tpu.memory_space<vmem_shared>> -> memref<10240x64xf32, #tpu.memory_space<vmem_shared>>
      tpu.wait_indirect_dma semaphore(%arg13 : memref<!tpu.dma_semaphore, #tpu.memory_space<semaphore_mem>>) src(%dma_wait3A_83 : memref<10240x64xf32, #tpu.memory_space<vmem_shared>>) dst(%arg9 : memref<128x64xf32, #tpu.memory_space<vmem>>)
      "tpu.region"() ({
        %run_scoped3A_109 = tpu.sem_alloc : memref<!tpu.dma_semaphore, #tpu.memory_space<semaphore_mem>>
        %dma_start3A_110 = arith.constant 0 : i32
        %dma_start3A_111 = tpu.memref_slice %arg8[%mul3A_78, %dma_start3A_110] : memref<80x128xi32, #tpu.memory_space<vmem>> -> memref<1x128xi32, #tpu.memory_space<vmem>>
        %dma_start3A_112 = tpu.memref_squeeze %dma_start3A_111 : memref<1x128xi32, #tpu.memory_space<vmem>> -> memref<128xi32, #tpu.memory_space<vmem>>
        %dma_start3A_113 = arith.constant 0 : i32
        %dma_start3A_114 = arith.constant 0 : i32
        %dma_start3A_115 = tpu.memref_slice %arg11[%dma_start3A_113, %dma_start3A_114] : memref<10240x64xf32, #tpu.memory_space<vmem_shared>> -> memref<10240x64xf32, #tpu.memory_space<vmem_shared>>
        tpu.enqueue_indirect_dma source(%arg9 : memref<128x64xf32, #tpu.memory_space<vmem>>) target(%dma_start3A_115 : memref<10240x64xf32, #tpu.memory_space<vmem_shared>>) offsets(%dma_start3A_112 : memref<128xi32, #tpu.memory_space<vmem>>) semaphore(%run_scoped3A_109 : memref<!tpu.dma_semaphore, #tpu.memory_space<semaphore_mem>>) {add = true}
        %dma_wait3A_116 = arith.constant 0 : i32
        %dma_wait3A_117 = tpu.memref_slice %arg8[%mul3A_78, %dma_wait3A_116] : memref<80x128xi32, #tpu.memory_space<vmem>> -> memref<1x128xi32, #tpu.memory_space<vmem>>
        %dma_wait3A_118 = tpu.memref_squeeze %dma_wait3A_117 : memref<1x128xi32, #tpu.memory_space<vmem>> -> memref<128xi32, #tpu.memory_space<vmem>>
        %dma_wait3A_119 = arith.constant 0 : i32
        %dma_wait3A_120 = arith.constant 0 : i32
        %dma_wait3A_121 = tpu.memref_slice %arg11[%dma_wait3A_119, %dma_wait3A_120] : memref<10240x64xf32, #tpu.memory_space<vmem_shared>> -> memref<10240x64xf32, #tpu.memory_space<vmem_shared>>
        tpu.wait_indirect_dma semaphore(%run_scoped3A_109 : memref<!tpu.dma_semaphore, #tpu.memory_space<semaphore_mem>>) src(%arg9 : memref<128x64xf32, #tpu.memory_space<vmem>>) dst(%dma_wait3A_121 : memref<10240x64xf32, #tpu.memory_space<vmem_shared>>)
        tpu.yield
      }) : () -> ()
      %add3A_84 = arith.constant 2 : i32
      %add3A_85 = arith.addi %mul3A_78, %add3A_84 : i32
      %mul3A_86 = arith.constant 128 : i32
      %mul3A_87 = arith.muli %add3A_85, %mul3A_86 : i32
      %dma_start3A_88 = tpu.memref_slice %arg7[%mul3A_87] : memref<10240xi32, #tpu.memory_space<vmem>> -> memref<128xi32, #tpu.memory_space<vmem>>
      %dma_start3A_89 = arith.constant 0 : i32
      %dma_start3A_90 = arith.constant 0 : i32
      %dma_start3A_91 = tpu.memref_slice %arg12[%dma_start3A_89, %dma_start3A_90] : memref<10240x64xf32, #tpu.memory_space<vmem_shared>> -> memref<10240x64xf32, #tpu.memory_space<vmem_shared>>
      tpu.enqueue_indirect_dma source(%dma_start3A_91 : memref<10240x64xf32, #tpu.memory_space<vmem_shared>>) target(%arg9 : memref<128x64xf32, #tpu.memory_space<vmem>>) offsets(%dma_start3A_88 : memref<128xi32, #tpu.memory_space<vmem>>) semaphore(%arg13 : memref<!tpu.dma_semaphore, #tpu.memory_space<semaphore_mem>>)
      %mul3A_92 = arith.constant 2 : i32
      %mul3A_93 = arith.muli %scan3A_76, %mul3A_92 : i32
      %add3A_94 = arith.constant 1 : i32
      %add3A_95 = arith.addi %mul3A_93, %add3A_94 : i32
      %dma_wait3A_96 = arith.constant 0 : i32
      %dma_wait3A_97 = tpu.memref_slice %arg7[%dma_wait3A_96] : memref<10240xi32, #tpu.memory_space<vmem>> -> memref<128xi32, #tpu.memory_space<vmem>>
      %dma_wait3A_98 = arith.constant 0 : i32
      %dma_wait3A_99 = arith.constant 0 : i32
      %dma_wait3A_100 = tpu.memref_slice %arg12[%dma_wait3A_98, %dma_wait3A_99] : memref<10240x64xf32, #tpu.memory_space<vmem_shared>> -> memref<10240x64xf32, #tpu.memory_space<vmem_shared>>
      tpu.wait_indirect_dma semaphore(%arg14 : memref<!tpu.dma_semaphore, #tpu.memory_space<semaphore_mem>>) src(%dma_wait3A_100 : memref<10240x64xf32, #tpu.memory_space<vmem_shared>>) dst(%arg10 : memref<128x64xf32, #tpu.memory_space<vmem>>)
      "tpu.region"() ({
        %run_scoped3A_109 = tpu.sem_alloc : memref<!tpu.dma_semaphore, #tpu.memory_space<semaphore_mem>>
        %dma_start3A_110 = arith.constant 0 : i32
        %dma_start3A_111 = tpu.memref_slice %arg8[%add3A_95, %dma_start3A_110] : memref<80x128xi32, #tpu.memory_space<vmem>> -> memref<1x128xi32, #tpu.memory_space<vmem>>
        %dma_start3A_112 = tpu.memref_squeeze %dma_start3A_111 : memref<1x128xi32, #tpu.memory_space<vmem>> -> memref<128xi32, #tpu.memory_space<vmem>>
        %dma_start3A_113 = arith.constant 0 : i32
        %dma_start3A_114 = arith.constant 0 : i32
        %dma_start3A_115 = tpu.memref_slice %arg11[%dma_start3A_113, %dma_start3A_114] : memref<10240x64xf32, #tpu.memory_space<vmem_shared>> -> memref<10240x64xf32, #tpu.memory_space<vmem_shared>>
        tpu.enqueue_indirect_dma source(%arg10 : memref<128x64xf32, #tpu.memory_space<vmem>>) target(%dma_start3A_115 : memref<10240x64xf32, #tpu.memory_space<vmem_shared>>) offsets(%dma_start3A_112 : memref<128xi32, #tpu.memory_space<vmem>>) semaphore(%run_scoped3A_109 : memref<!tpu.dma_semaphore, #tpu.memory_space<semaphore_mem>>) {add = true}
        %dma_wait3A_116 = arith.constant 0 : i32
        %dma_wait3A_117 = tpu.memref_slice %arg8[%add3A_95, %dma_wait3A_116] : memref<80x128xi32, #tpu.memory_space<vmem>> -> memref<1x128xi32, #tpu.memory_space<vmem>>
        %dma_wait3A_118 = tpu.memref_squeeze %dma_wait3A_117 : memref<1x128xi32, #tpu.memory_space<vmem>> -> memref<128xi32, #tpu.memory_space<vmem>>
        %dma_wait3A_119 = arith.constant 0 : i32
        %dma_wait3A_120 = arith.constant 0 : i32
        %dma_wait3A_121 = tpu.memref_slice %arg11[%dma_wait3A_119, %dma_wait3A_120] : memref<10240x64xf32, #tpu.memory_space<vmem_shared>> -> memref<10240x64xf32, #tpu.memory_space<vmem_shared>>
        tpu.wait_indirect_dma semaphore(%run_scoped3A_109 : memref<!tpu.dma_semaphore, #tpu.memory_space<semaphore_mem>>) src(%arg10 : memref<128x64xf32, #tpu.memory_space<vmem>>) dst(%dma_wait3A_121 : memref<10240x64xf32, #tpu.memory_space<vmem_shared>>)
        tpu.yield
      }) : () -> ()
      %add3A_101 = arith.constant 2 : i32
      %add3A_102 = arith.addi %add3A_95, %add3A_101 : i32
      %mul3A_103 = arith.constant 128 : i32
      %mul3A_104 = arith.muli %add3A_102, %mul3A_103 : i32
      %dma_start3A_105 = tpu.memref_slice %arg7[%mul3A_104] : memref<10240xi32, #tpu.memory_space<vmem>> -> memref<128xi32, #tpu.memory_space<vmem>>
      %dma_start3A_106 = arith.constant 0 : i32
      %dma_start3A_107 = arith.constant 0 : i32
      %dma_start3A_108 = tpu.memref_slice %arg12[%dma_start3A_106, %dma_start3A_107] : memref<10240x64xf32, #tpu.memory_space<vmem_shared>> -> memref<10240x64xf32, #tpu.memory_space<vmem_shared>>
      tpu.enqueue_indirect_dma source(%dma_start3A_108 : memref<10240x64xf32, #tpu.memory_space<vmem_shared>>) target(%arg10 : memref<128x64xf32, #tpu.memory_space<vmem>>) offsets(%dma_start3A_105 : memref<128xi32, #tpu.memory_space<vmem>>) semaphore(%arg14 : memref<!tpu.dma_semaphore, #tpu.memory_space<semaphore_mem>>)
    }
    %scan3A_59 = arith.constant 39 : i32
    %dma_wait3A_60 = arith.constant 0 : i32
    %dma_wait3A_61 = tpu.memref_slice %arg7[%dma_wait3A_60] : memref<10240xi32, #tpu.memory_space<vmem>> -> memref<128xi32, #tpu.memory_space<vmem>>
    %dma_wait3A_62 = arith.constant 0 : i32
    %dma_wait3A_63 = arith.constant 0 : i32
    %dma_wait3A_64 = tpu.memref_slice %arg12[%dma_wait3A_62, %dma_wait3A_63] : memref<10240x64xf32, #tpu.memory_space<vmem_shared>> -> memref<10240x64xf32, #tpu.memory_space<vmem_shared>>
    tpu.wait_indirect_dma semaphore(%arg13 : memref<!tpu.dma_semaphore, #tpu.memory_space<semaphore_mem>>) src(%dma_wait3A_64 : memref<10240x64xf32, #tpu.memory_space<vmem_shared>>) dst(%arg9 : memref<128x64xf32, #tpu.memory_space<vmem>>)
    %run_scoped3A = arith.constant 78 : i32
    "tpu.region"() ({
      %run_scoped3A_76 = tpu.sem_alloc : memref<!tpu.dma_semaphore, #tpu.memory_space<semaphore_mem>>
      %dma_start3A_77 = arith.constant 0 : i32
      %dma_start3A_78 = tpu.memref_slice %arg8[%run_scoped3A, %dma_start3A_77] : memref<80x128xi32, #tpu.memory_space<vmem>> -> memref<1x128xi32, #tpu.memory_space<vmem>>
      %dma_start3A_79 = tpu.memref_squeeze %dma_start3A_78 : memref<1x128xi32, #tpu.memory_space<vmem>> -> memref<128xi32, #tpu.memory_space<vmem>>
      %dma_start3A_80 = arith.constant 0 : i32
      %dma_start3A_81 = arith.constant 0 : i32
      %dma_start3A_82 = tpu.memref_slice %arg11[%dma_start3A_80, %dma_start3A_81] : memref<10240x64xf32, #tpu.memory_space<vmem_shared>> -> memref<10240x64xf32, #tpu.memory_space<vmem_shared>>
      tpu.enqueue_indirect_dma source(%arg9 : memref<128x64xf32, #tpu.memory_space<vmem>>) target(%dma_start3A_82 : memref<10240x64xf32, #tpu.memory_space<vmem_shared>>) offsets(%dma_start3A_79 : memref<128xi32, #tpu.memory_space<vmem>>) semaphore(%run_scoped3A_76 : memref<!tpu.dma_semaphore, #tpu.memory_space<semaphore_mem>>) {add = true}
      %dma_wait3A_83 = arith.constant 0 : i32
      %dma_wait3A_84 = tpu.memref_slice %arg8[%run_scoped3A, %dma_wait3A_83] : memref<80x128xi32, #tpu.memory_space<vmem>> -> memref<1x128xi32, #tpu.memory_space<vmem>>
      %dma_wait3A_85 = tpu.memref_squeeze %dma_wait3A_84 : memref<1x128xi32, #tpu.memory_space<vmem>> -> memref<128xi32, #tpu.memory_space<vmem>>
      %dma_wait3A_86 = arith.constant 0 : i32
      %dma_wait3A_87 = arith.constant 0 : i32
      %dma_wait3A_88 = tpu.memref_slice %arg11[%dma_wait3A_86, %dma_wait3A_87] : memref<10240x64xf32, #tpu.memory_space<vmem_shared>> -> memref<10240x64xf32, #tpu.memory_space<vmem_shared>>
      tpu.wait_indirect_dma semaphore(%run_scoped3A_76 : memref<!tpu.dma_semaphore, #tpu.memory_space<semaphore_mem>>) src(%arg9 : memref<128x64xf32, #tpu.memory_space<vmem>>) dst(%dma_wait3A_88 : memref<10240x64xf32, #tpu.memory_space<vmem_shared>>)
      tpu.yield
    }) : () -> ()
    %dma_wait3A_65 = arith.constant 0 : i32
    %dma_wait3A_66 = tpu.memref_slice %arg7[%dma_wait3A_65] : memref<10240xi32, #tpu.memory_space<vmem>> -> memref<128xi32, #tpu.memory_space<vmem>>
    %dma_wait3A_67 = arith.constant 0 : i32
    %dma_wait3A_68 = arith.constant 0 : i32
    %dma_wait3A_69 = tpu.memref_slice %arg12[%dma_wait3A_67, %dma_wait3A_68] : memref<10240x64xf32, #tpu.memory_space<vmem_shared>> -> memref<10240x64xf32, #tpu.memory_space<vmem_shared>>
    tpu.wait_indirect_dma semaphore(%arg14 : memref<!tpu.dma_semaphore, #tpu.memory_space<semaphore_mem>>) src(%dma_wait3A_69 : memref<10240x64xf32, #tpu.memory_space<vmem_shared>>) dst(%arg10 : memref<128x64xf32, #tpu.memory_space<vmem>>)
    %run_scoped3A_70 = arith.constant 79 : i32
    "tpu.region"() ({
      %run_scoped3A_76 = tpu.sem_alloc : memref<!tpu.dma_semaphore, #tpu.memory_space<semaphore_mem>>
      %dma_start3A_77 = arith.constant 0 : i32
      %dma_start3A_78 = tpu.memref_slice %arg8[%run_scoped3A_70, %dma_start3A_77] : memref<80x128xi32, #tpu.memory_space<vmem>> -> memref<1x128xi32, #tpu.memory_space<vmem>>
      %dma_start3A_79 = tpu.memref_squeeze %dma_start3A_78 : memref<1x128xi32, #tpu.memory_space<vmem>> -> memref<128xi32, #tpu.memory_space<vmem>>
      %dma_start3A_80 = arith.constant 0 : i32
      %dma_start3A_81 = arith.constant 0 : i32
      %dma_start3A_82 = tpu.memref_slice %arg11[%dma_start3A_80, %dma_start3A_81] : memref<10240x64xf32, #tpu.memory_space<vmem_shared>> -> memref<10240x64xf32, #tpu.memory_space<vmem_shared>>
      tpu.enqueue_indirect_dma source(%arg10 : memref<128x64xf32, #tpu.memory_space<vmem>>) target(%dma_start3A_82 : memref<10240x64xf32, #tpu.memory_space<vmem_shared>>) offsets(%dma_start3A_79 : memref<128xi32, #tpu.memory_space<vmem>>) semaphore(%run_scoped3A_76 : memref<!tpu.dma_semaphore, #tpu.memory_space<semaphore_mem>>) {add = true}
      %dma_wait3A_83 = arith.constant 0 : i32
      %dma_wait3A_84 = tpu.memref_slice %arg8[%run_scoped3A_70, %dma_wait3A_83] : memref<80x128xi32, #tpu.memory_space<vmem>> -> memref<1x128xi32, #tpu.memory_space<vmem>>
      %dma_wait3A_85 = tpu.memref_squeeze %dma_wait3A_84 : memref<1x128xi32, #tpu.memory_space<vmem>> -> memref<128xi32, #tpu.memory_space<vmem>>
      %dma_wait3A_86 = arith.constant 0 : i32
      %dma_wait3A_87 = arith.constant 0 : i32
      %dma_wait3A_88 = tpu.memref_slice %arg11[%dma_wait3A_86, %dma_wait3A_87] : memref<10240x64xf32, #tpu.memory_space<vmem_shared>> -> memref<10240x64xf32, #tpu.memory_space<vmem_shared>>
      tpu.wait_indirect_dma semaphore(%run_scoped3A_76 : memref<!tpu.dma_semaphore, #tpu.memory_space<semaphore_mem>>) src(%arg10 : memref<128x64xf32, #tpu.memory_space<vmem>>) dst(%dma_wait3A_88 : memref<10240x64xf32, #tpu.memory_space<vmem_shared>>)
      tpu.yield
    }) : () -> ()
    %barrier3A_71 = arith.constant 0 : index
    tpu.barrier barrier_id(%barrier3A_71)
    %mul3A_72 = arith.constant 640 : i32
    %mul3A_73 = arith.muli %arg1, %mul3A_72 : i32
    %mul3A_74 = arith.constant 640 : i32
    %mul3A_75 = arith.muli %arg1, %mul3A_74 : i32
    "tpu.region"() ({
      %run_scoped3A_76 = tpu.sem_alloc : memref<!tpu.dma_semaphore, #tpu.memory_space<semaphore_mem>>
      %dma_start3A_77 = arith.constant 0 : i32
      %dma_start3A_78 = tpu.memref_slice %arg6[%arg0, %mul3A_75, %dma_start3A_77] : memref<2x10240x64xf32, #tpu.memory_space<hbm>> -> memref<1x640x64xf32, #tpu.memory_space<hbm>>
      %dma_start3A_79 = tpu.memref_squeeze %dma_start3A_78 : memref<1x640x64xf32, #tpu.memory_space<hbm>> -> memref<640x64xf32, #tpu.memory_space<hbm>>
      %dma_start3A_80 = arith.constant 0 : i32
      %dma_start3A_81 = tpu.memref_slice %arg11[%mul3A_73, %dma_start3A_80] : memref<10240x64xf32, #tpu.memory_space<vmem_shared>> -> memref<640x64xf32, #tpu.memory_space<vmem_shared>>
      tpu.enqueue_dma source(%dma_start3A_81 : memref<640x64xf32, #tpu.memory_space<vmem_shared>>) target(%dma_start3A_79 : memref<640x64xf32, #tpu.memory_space<hbm>>) target_semaphore(%run_scoped3A_76 : memref<!tpu.dma_semaphore, #tpu.memory_space<semaphore_mem>>)
      %dma_wait3A_82 = arith.constant 0 : i32
      %dma_wait3A_83 = tpu.memref_slice %arg6[%arg0, %mul3A_75, %dma_wait3A_82] : memref<2x10240x64xf32, #tpu.memory_space<hbm>> -> memref<1x640x64xf32, #tpu.memory_space<hbm>>
      %dma_wait3A_84 = tpu.memref_squeeze %dma_wait3A_83 : memref<1x640x64xf32, #tpu.memory_space<hbm>> -> memref<640x64xf32, #tpu.memory_space<hbm>>
      %dma_wait3A_85 = arith.constant 0 : i32
      %dma_wait3A_86 = tpu.memref_slice %arg11[%mul3A_73, %dma_wait3A_85] : memref<10240x64xf32, #tpu.memory_space<vmem_shared>> -> memref<640x64xf32, #tpu.memory_space<vmem_shared>>
      tpu.wait_dma2 semaphore(%run_scoped3A_76 : memref<!tpu.dma_semaphore, #tpu.memory_space<semaphore_mem>>) src(%dma_wait3A_86 : memref<640x64xf32, #tpu.memory_space<vmem_shared>>) dst(%dma_wait3A_84 : memref<640x64xf32, #tpu.memory_space<hbm>>)
      tpu.yield
    }) : () -> ()
    return
  }
}

#map = affine_map<(d0, d1) -> (0, 0, 0)>
#map1 = affine_map<(d0, d1) -> (0, 0)>
module attributes {stable_mosaic.version = 14 : i64} {
  func.func @deg_kernel(%arg0: i32, %arg1: i32, %arg2: memref<32x80x128xi32, #tpu.memory_space<hbm>>, %arg3: memref<128x16xf32, #tpu.memory_space<hbm>>, %arg4: memref<640x16xf32, #tpu.memory_space<hbm>>, %arg5: memref<2x10240x16xf32, #tpu.memory_space<hbm>>, %arg6: memref<128x16xf32, #tpu.memory_space<vmem>>, %arg7: memref<80x128xi32, #tpu.memory_space<vmem>>, %arg8: memref<10240x16xf32, #tpu.memory_space<vmem_shared>>, %arg9: memref<!tpu.dma_semaphore, #tpu.memory_space<semaphore_mem>>) attributes {dimension_semantics = [#tpu.dimension_semantics<core_parallel>, #tpu.dimension_semantics<subcore_parallel>], iteration_bounds = array<i64: 2, 16>, scalar_prefetch = 0 : i64, scratch_operands = 4 : i64, tpu.core_type = #tpu.core_type<sc_vector_subcore>, window_params = [{transform_indices = #map}, {transform_indices = #map1}, {transform_indices = #map1}, {transform_indices = #map}]} {
    %mul3A = arith.constant 2 : i32
    %mul3A_0 = arith.muli %arg1, %mul3A : i32
    %add3A = arith.addi %mul3A_0, %arg0 : i32
    %mul3A_1 = arith.constant 640 : i32
    %mul3A_2 = arith.muli %arg1, %mul3A_1 : i32
    %dma_start3A = arith.constant 0 : i32
    %dma_start3A_3 = tpu.memref_slice %arg8[%mul3A_2, %dma_start3A] : memref<10240x16xf32, #tpu.memory_space<vmem_shared>> -> memref<640x16xf32, #tpu.memory_space<vmem_shared>>
    %dma_start3A_4 = arith.constant 0 : i32
    %dma_start3A_5 = arith.constant 0 : i32
    %dma_start3A_6 = tpu.memref_slice %arg4[%dma_start3A_4, %dma_start3A_5] : memref<640x16xf32, #tpu.memory_space<hbm>> -> memref<640x16xf32, #tpu.memory_space<hbm>>
    tpu.enqueue_dma source(%dma_start3A_6 : memref<640x16xf32, #tpu.memory_space<hbm>>) target(%dma_start3A_3 : memref<640x16xf32, #tpu.memory_space<vmem_shared>>) target_semaphore(%arg9 : memref<!tpu.dma_semaphore, #tpu.memory_space<semaphore_mem>>)
    tpu.enqueue_dma source(%arg3 : memref<128x16xf32, #tpu.memory_space<hbm>>) target(%arg6 : memref<128x16xf32, #tpu.memory_space<vmem>>) target_semaphore(%arg9 : memref<!tpu.dma_semaphore, #tpu.memory_space<semaphore_mem>>)
    %dma_start3A_7 = arith.constant 0 : i32
    %dma_start3A_8 = arith.constant 0 : i32
    %dma_start3A_9 = tpu.memref_slice %arg2[%add3A, %dma_start3A_7, %dma_start3A_8] : memref<32x80x128xi32, #tpu.memory_space<hbm>> -> memref<1x80x128xi32, #tpu.memory_space<hbm>>
    %dma_start3A_10 = tpu.memref_squeeze %dma_start3A_9 : memref<1x80x128xi32, #tpu.memory_space<hbm>> -> memref<80x128xi32, #tpu.memory_space<hbm>>
    %dma_start3A_11 = arith.constant 0 : i32
    %dma_start3A_12 = arith.constant 0 : i32
    %dma_start3A_13 = tpu.memref_slice %arg2[%add3A, %dma_start3A_11, %dma_start3A_12] : memref<32x80x128xi32, #tpu.memory_space<hbm>> -> memref<1x80x128xi32, #tpu.memory_space<hbm>>
    %dma_start3A_14 = tpu.memref_squeeze %dma_start3A_13 : memref<1x80x128xi32, #tpu.memory_space<hbm>> -> memref<80x128xi32, #tpu.memory_space<hbm>>
    tpu.enqueue_dma source(%dma_start3A_14 : memref<80x128xi32, #tpu.memory_space<hbm>>) target(%arg7 : memref<80x128xi32, #tpu.memory_space<vmem>>) target_semaphore(%arg9 : memref<!tpu.dma_semaphore, #tpu.memory_space<semaphore_mem>>)
    %dma_wait3A = arith.constant 0 : i32
    %dma_wait3A_15 = tpu.memref_slice %arg8[%mul3A_2, %dma_wait3A] : memref<10240x16xf32, #tpu.memory_space<vmem_shared>> -> memref<640x16xf32, #tpu.memory_space<vmem_shared>>
    %dma_wait3A_16 = arith.constant 0 : i32
    %dma_wait3A_17 = arith.constant 0 : i32
    %dma_wait3A_18 = tpu.memref_slice %arg4[%dma_wait3A_16, %dma_wait3A_17] : memref<640x16xf32, #tpu.memory_space<hbm>> -> memref<640x16xf32, #tpu.memory_space<hbm>>
    tpu.wait_dma2 semaphore(%arg9 : memref<!tpu.dma_semaphore, #tpu.memory_space<semaphore_mem>>) src(%dma_wait3A_18 : memref<640x16xf32, #tpu.memory_space<hbm>>) dst(%dma_wait3A_15 : memref<640x16xf32, #tpu.memory_space<vmem_shared>>)
    tpu.wait_dma2 semaphore(%arg9 : memref<!tpu.dma_semaphore, #tpu.memory_space<semaphore_mem>>) src(%arg3 : memref<128x16xf32, #tpu.memory_space<hbm>>) dst(%arg6 : memref<128x16xf32, #tpu.memory_space<vmem>>)
    %dma_wait3A_19 = arith.constant 0 : i32
    %dma_wait3A_20 = arith.constant 0 : i32
    %dma_wait3A_21 = tpu.memref_slice %arg2[%add3A, %dma_wait3A_19, %dma_wait3A_20] : memref<32x80x128xi32, #tpu.memory_space<hbm>> -> memref<1x80x128xi32, #tpu.memory_space<hbm>>
    %dma_wait3A_22 = tpu.memref_squeeze %dma_wait3A_21 : memref<1x80x128xi32, #tpu.memory_space<hbm>> -> memref<80x128xi32, #tpu.memory_space<hbm>>
    %dma_wait3A_23 = arith.constant 0 : i32
    %dma_wait3A_24 = arith.constant 0 : i32
    %dma_wait3A_25 = tpu.memref_slice %arg2[%add3A, %dma_wait3A_23, %dma_wait3A_24] : memref<32x80x128xi32, #tpu.memory_space<hbm>> -> memref<1x80x128xi32, #tpu.memory_space<hbm>>
    %dma_wait3A_26 = tpu.memref_squeeze %dma_wait3A_25 : memref<1x80x128xi32, #tpu.memory_space<hbm>> -> memref<80x128xi32, #tpu.memory_space<hbm>>
    tpu.wait_dma2 semaphore(%arg9 : memref<!tpu.dma_semaphore, #tpu.memory_space<semaphore_mem>>) src(%dma_wait3A_26 : memref<80x128xi32, #tpu.memory_space<hbm>>) dst(%arg7 : memref<80x128xi32, #tpu.memory_space<vmem>>)
    %barrier3A = arith.constant 0 : index
    tpu.barrier barrier_id(%barrier3A)
    %scan3A = arith.constant 0 : i32
    %scan3A_27 = arith.constant 0 : i32
    %scan3A_28 = arith.constant 20 : i32
    %scan3A_29 = arith.addi %scan3A_27, %scan3A_28 : i32
    %scan3A_30 = arith.constant 1 : i32
    scf.for %scan3A_37 = %scan3A_27 to %scan3A_29 step %scan3A_30  : i32 {
      %mul3A_38 = arith.constant 4 : i32
      %mul3A_39 = arith.muli %scan3A_37, %mul3A_38 : i32
      %add3A_40 = arith.constant 0 : i32
      %add3A_41 = arith.addi %mul3A_39, %add3A_40 : i32
      %dma_start3A_42 = arith.constant 0 : i32
      %dma_start3A_43 = tpu.memref_slice %arg7[%add3A_41, %dma_start3A_42] : memref<80x128xi32, #tpu.memory_space<vmem>> -> memref<1x128xi32, #tpu.memory_space<vmem>>
      %dma_start3A_44 = tpu.memref_squeeze %dma_start3A_43 : memref<1x128xi32, #tpu.memory_space<vmem>> -> memref<128xi32, #tpu.memory_space<vmem>>
      %dma_start3A_45 = arith.constant 0 : i32
      %dma_start3A_46 = arith.constant 0 : i32
      %dma_start3A_47 = tpu.memref_slice %arg8[%dma_start3A_45, %dma_start3A_46] : memref<10240x16xf32, #tpu.memory_space<vmem_shared>> -> memref<10240x16xf32, #tpu.memory_space<vmem_shared>>
      tpu.enqueue_indirect_dma source(%arg6 : memref<128x16xf32, #tpu.memory_space<vmem>>) target(%dma_start3A_47 : memref<10240x16xf32, #tpu.memory_space<vmem_shared>>) offsets(%dma_start3A_44 : memref<128xi32, #tpu.memory_space<vmem>>) semaphore(%arg9 : memref<!tpu.dma_semaphore, #tpu.memory_space<semaphore_mem>>) {add = true}
      %mul3A_48 = arith.constant 4 : i32
      %mul3A_49 = arith.muli %scan3A_37, %mul3A_48 : i32
      %add3A_50 = arith.constant 1 : i32
      %add3A_51 = arith.addi %mul3A_49, %add3A_50 : i32
      %dma_start3A_52 = arith.constant 0 : i32
      %dma_start3A_53 = tpu.memref_slice %arg7[%add3A_51, %dma_start3A_52] : memref<80x128xi32, #tpu.memory_space<vmem>> -> memref<1x128xi32, #tpu.memory_space<vmem>>
      %dma_start3A_54 = tpu.memref_squeeze %dma_start3A_53 : memref<1x128xi32, #tpu.memory_space<vmem>> -> memref<128xi32, #tpu.memory_space<vmem>>
      %dma_start3A_55 = arith.constant 0 : i32
      %dma_start3A_56 = arith.constant 0 : i32
      %dma_start3A_57 = tpu.memref_slice %arg8[%dma_start3A_55, %dma_start3A_56] : memref<10240x16xf32, #tpu.memory_space<vmem_shared>> -> memref<10240x16xf32, #tpu.memory_space<vmem_shared>>
      tpu.enqueue_indirect_dma source(%arg6 : memref<128x16xf32, #tpu.memory_space<vmem>>) target(%dma_start3A_57 : memref<10240x16xf32, #tpu.memory_space<vmem_shared>>) offsets(%dma_start3A_54 : memref<128xi32, #tpu.memory_space<vmem>>) semaphore(%arg9 : memref<!tpu.dma_semaphore, #tpu.memory_space<semaphore_mem>>) {add = true}
      %mul3A_58 = arith.constant 4 : i32
      %mul3A_59 = arith.muli %scan3A_37, %mul3A_58 : i32
      %add3A_60 = arith.constant 2 : i32
      %add3A_61 = arith.addi %mul3A_59, %add3A_60 : i32
      %dma_start3A_62 = arith.constant 0 : i32
      %dma_start3A_63 = tpu.memref_slice %arg7[%add3A_61, %dma_start3A_62] : memref<80x128xi32, #tpu.memory_space<vmem>> -> memref<1x128xi32, #tpu.memory_space<vmem>>
      %dma_start3A_64 = tpu.memref_squeeze %dma_start3A_63 : memref<1x128xi32, #tpu.memory_space<vmem>> -> memref<128xi32, #tpu.memory_space<vmem>>
      %dma_start3A_65 = arith.constant 0 : i32
      %dma_start3A_66 = arith.constant 0 : i32
      %dma_start3A_67 = tpu.memref_slice %arg8[%dma_start3A_65, %dma_start3A_66] : memref<10240x16xf32, #tpu.memory_space<vmem_shared>> -> memref<10240x16xf32, #tpu.memory_space<vmem_shared>>
      tpu.enqueue_indirect_dma source(%arg6 : memref<128x16xf32, #tpu.memory_space<vmem>>) target(%dma_start3A_67 : memref<10240x16xf32, #tpu.memory_space<vmem_shared>>) offsets(%dma_start3A_64 : memref<128xi32, #tpu.memory_space<vmem>>) semaphore(%arg9 : memref<!tpu.dma_semaphore, #tpu.memory_space<semaphore_mem>>) {add = true}
      %mul3A_68 = arith.constant 4 : i32
      %mul3A_69 = arith.muli %scan3A_37, %mul3A_68 : i32
      %add3A_70 = arith.constant 3 : i32
      %add3A_71 = arith.addi %mul3A_69, %add3A_70 : i32
      %dma_start3A_72 = arith.constant 0 : i32
      %dma_start3A_73 = tpu.memref_slice %arg7[%add3A_71, %dma_start3A_72] : memref<80x128xi32, #tpu.memory_space<vmem>> -> memref<1x128xi32, #tpu.memory_space<vmem>>
      %dma_start3A_74 = tpu.memref_squeeze %dma_start3A_73 : memref<1x128xi32, #tpu.memory_space<vmem>> -> memref<128xi32, #tpu.memory_space<vmem>>
      %dma_start3A_75 = arith.constant 0 : i32
      %dma_start3A_76 = arith.constant 0 : i32
      %dma_start3A_77 = tpu.memref_slice %arg8[%dma_start3A_75, %dma_start3A_76] : memref<10240x16xf32, #tpu.memory_space<vmem_shared>> -> memref<10240x16xf32, #tpu.memory_space<vmem_shared>>
      tpu.enqueue_indirect_dma source(%arg6 : memref<128x16xf32, #tpu.memory_space<vmem>>) target(%dma_start3A_77 : memref<10240x16xf32, #tpu.memory_space<vmem_shared>>) offsets(%dma_start3A_74 : memref<128xi32, #tpu.memory_space<vmem>>) semaphore(%arg9 : memref<!tpu.dma_semaphore, #tpu.memory_space<semaphore_mem>>) {add = true}
      %mul3A_78 = arith.constant 4 : i32
      %mul3A_79 = arith.muli %scan3A_37, %mul3A_78 : i32
      %add3A_80 = arith.constant 0 : i32
      %add3A_81 = arith.addi %mul3A_79, %add3A_80 : i32
      %dma_wait3A_82 = arith.constant 0 : i32
      %dma_wait3A_83 = tpu.memref_slice %arg7[%add3A_81, %dma_wait3A_82] : memref<80x128xi32, #tpu.memory_space<vmem>> -> memref<1x128xi32, #tpu.memory_space<vmem>>
      %dma_wait3A_84 = tpu.memref_squeeze %dma_wait3A_83 : memref<1x128xi32, #tpu.memory_space<vmem>> -> memref<128xi32, #tpu.memory_space<vmem>>
      %dma_wait3A_85 = arith.constant 0 : i32
      %dma_wait3A_86 = arith.constant 0 : i32
      %dma_wait3A_87 = tpu.memref_slice %arg8[%dma_wait3A_85, %dma_wait3A_86] : memref<10240x16xf32, #tpu.memory_space<vmem_shared>> -> memref<10240x16xf32, #tpu.memory_space<vmem_shared>>
      tpu.wait_indirect_dma semaphore(%arg9 : memref<!tpu.dma_semaphore, #tpu.memory_space<semaphore_mem>>) src(%arg6 : memref<128x16xf32, #tpu.memory_space<vmem>>) dst(%dma_wait3A_87 : memref<10240x16xf32, #tpu.memory_space<vmem_shared>>)
      %mul3A_88 = arith.constant 4 : i32
      %mul3A_89 = arith.muli %scan3A_37, %mul3A_88 : i32
      %add3A_90 = arith.constant 1 : i32
      %add3A_91 = arith.addi %mul3A_89, %add3A_90 : i32
      %dma_wait3A_92 = arith.constant 0 : i32
      %dma_wait3A_93 = tpu.memref_slice %arg7[%add3A_91, %dma_wait3A_92] : memref<80x128xi32, #tpu.memory_space<vmem>> -> memref<1x128xi32, #tpu.memory_space<vmem>>
      %dma_wait3A_94 = tpu.memref_squeeze %dma_wait3A_93 : memref<1x128xi32, #tpu.memory_space<vmem>> -> memref<128xi32, #tpu.memory_space<vmem>>
      %dma_wait3A_95 = arith.constant 0 : i32
      %dma_wait3A_96 = arith.constant 0 : i32
      %dma_wait3A_97 = tpu.memref_slice %arg8[%dma_wait3A_95, %dma_wait3A_96] : memref<10240x16xf32, #tpu.memory_space<vmem_shared>> -> memref<10240x16xf32, #tpu.memory_space<vmem_shared>>
      tpu.wait_indirect_dma semaphore(%arg9 : memref<!tpu.dma_semaphore, #tpu.memory_space<semaphore_mem>>) src(%arg6 : memref<128x16xf32, #tpu.memory_space<vmem>>) dst(%dma_wait3A_97 : memref<10240x16xf32, #tpu.memory_space<vmem_shared>>)
      %mul3A_98 = arith.constant 4 : i32
      %mul3A_99 = arith.muli %scan3A_37, %mul3A_98 : i32
      %add3A_100 = arith.constant 2 : i32
      %add3A_101 = arith.addi %mul3A_99, %add3A_100 : i32
      %dma_wait3A_102 = arith.constant 0 : i32
      %dma_wait3A_103 = tpu.memref_slice %arg7[%add3A_101, %dma_wait3A_102] : memref<80x128xi32, #tpu.memory_space<vmem>> -> memref<1x128xi32, #tpu.memory_space<vmem>>
      %dma_wait3A_104 = tpu.memref_squeeze %dma_wait3A_103 : memref<1x128xi32, #tpu.memory_space<vmem>> -> memref<128xi32, #tpu.memory_space<vmem>>
      %dma_wait3A_105 = arith.constant 0 : i32
      %dma_wait3A_106 = arith.constant 0 : i32
      %dma_wait3A_107 = tpu.memref_slice %arg8[%dma_wait3A_105, %dma_wait3A_106] : memref<10240x16xf32, #tpu.memory_space<vmem_shared>> -> memref<10240x16xf32, #tpu.memory_space<vmem_shared>>
      tpu.wait_indirect_dma semaphore(%arg9 : memref<!tpu.dma_semaphore, #tpu.memory_space<semaphore_mem>>) src(%arg6 : memref<128x16xf32, #tpu.memory_space<vmem>>) dst(%dma_wait3A_107 : memref<10240x16xf32, #tpu.memory_space<vmem_shared>>)
      %mul3A_108 = arith.constant 4 : i32
      %mul3A_109 = arith.muli %scan3A_37, %mul3A_108 : i32
      %add3A_110 = arith.constant 3 : i32
      %add3A_111 = arith.addi %mul3A_109, %add3A_110 : i32
      %dma_wait3A_112 = arith.constant 0 : i32
      %dma_wait3A_113 = tpu.memref_slice %arg7[%add3A_111, %dma_wait3A_112] : memref<80x128xi32, #tpu.memory_space<vmem>> -> memref<1x128xi32, #tpu.memory_space<vmem>>
      %dma_wait3A_114 = tpu.memref_squeeze %dma_wait3A_113 : memref<1x128xi32, #tpu.memory_space<vmem>> -> memref<128xi32, #tpu.memory_space<vmem>>
      %dma_wait3A_115 = arith.constant 0 : i32
      %dma_wait3A_116 = arith.constant 0 : i32
      %dma_wait3A_117 = tpu.memref_slice %arg8[%dma_wait3A_115, %dma_wait3A_116] : memref<10240x16xf32, #tpu.memory_space<vmem_shared>> -> memref<10240x16xf32, #tpu.memory_space<vmem_shared>>
      tpu.wait_indirect_dma semaphore(%arg9 : memref<!tpu.dma_semaphore, #tpu.memory_space<semaphore_mem>>) src(%arg6 : memref<128x16xf32, #tpu.memory_space<vmem>>) dst(%dma_wait3A_117 : memref<10240x16xf32, #tpu.memory_space<vmem_shared>>)
    }
    %scan3A_31 = arith.constant 20 : i32
    %barrier3A_32 = arith.constant 0 : index
    tpu.barrier barrier_id(%barrier3A_32)
    %mul3A_33 = arith.constant 640 : i32
    %mul3A_34 = arith.muli %arg1, %mul3A_33 : i32
    %mul3A_35 = arith.constant 640 : i32
    %mul3A_36 = arith.muli %arg1, %mul3A_35 : i32
    "tpu.region"() ({
      %run_scoped3A = tpu.sem_alloc : memref<!tpu.dma_semaphore, #tpu.memory_space<semaphore_mem>>
      %dma_start3A_37 = arith.constant 0 : i32
      %dma_start3A_38 = tpu.memref_slice %arg5[%arg0, %mul3A_36, %dma_start3A_37] : memref<2x10240x16xf32, #tpu.memory_space<hbm>> -> memref<1x640x16xf32, #tpu.memory_space<hbm>>
      %dma_start3A_39 = tpu.memref_squeeze %dma_start3A_38 : memref<1x640x16xf32, #tpu.memory_space<hbm>> -> memref<640x16xf32, #tpu.memory_space<hbm>>
      %dma_start3A_40 = arith.constant 0 : i32
      %dma_start3A_41 = tpu.memref_slice %arg8[%mul3A_34, %dma_start3A_40] : memref<10240x16xf32, #tpu.memory_space<vmem_shared>> -> memref<640x16xf32, #tpu.memory_space<vmem_shared>>
      tpu.enqueue_dma source(%dma_start3A_41 : memref<640x16xf32, #tpu.memory_space<vmem_shared>>) target(%dma_start3A_39 : memref<640x16xf32, #tpu.memory_space<hbm>>) target_semaphore(%run_scoped3A : memref<!tpu.dma_semaphore, #tpu.memory_space<semaphore_mem>>)
      %dma_wait3A_42 = arith.constant 0 : i32
      %dma_wait3A_43 = tpu.memref_slice %arg5[%arg0, %mul3A_36, %dma_wait3A_42] : memref<2x10240x16xf32, #tpu.memory_space<hbm>> -> memref<1x640x16xf32, #tpu.memory_space<hbm>>
      %dma_wait3A_44 = tpu.memref_squeeze %dma_wait3A_43 : memref<1x640x16xf32, #tpu.memory_space<hbm>> -> memref<640x16xf32, #tpu.memory_space<hbm>>
      %dma_wait3A_45 = arith.constant 0 : i32
      %dma_wait3A_46 = tpu.memref_slice %arg8[%mul3A_34, %dma_wait3A_45] : memref<10240x16xf32, #tpu.memory_space<vmem_shared>> -> memref<640x16xf32, #tpu.memory_space<vmem_shared>>
      tpu.wait_dma2 semaphore(%run_scoped3A : memref<!tpu.dma_semaphore, #tpu.memory_space<semaphore_mem>>) src(%dma_wait3A_46 : memref<640x16xf32, #tpu.memory_space<vmem_shared>>) dst(%dma_wait3A_44 : memref<640x16xf32, #tpu.memory_space<hbm>>)
      tpu.yield
    }) : () -> ()
    return
  }
}

#map = affine_map<(d0, d1) -> (0, 0)>
#map1 = affine_map<(d0, d1) -> (0)>
#map2 = affine_map<(d0, d1) -> (0, 0, 0)>
module attributes {stable_mosaic.version = 14 : i64} {
  func.func @scat_kernel(%arg0: i32, %arg1: i32, %arg2: memref<10240x32xf32, #tpu.memory_space<hbm>>, %arg3: memref<327680xi32, #tpu.memory_space<hbm>>, %arg4: memref<32x80x128xi32, #tpu.memory_space<hbm>>, %arg5: memref<640x32xf32, #tpu.memory_space<hbm>>, %arg6: memref<2x10240x32xf32, #tpu.memory_space<hbm>>, %arg7: memref<10240xi32, #tpu.memory_space<vmem>>, %arg8: memref<80x128xi32, #tpu.memory_space<vmem>>, %arg9: memref<128x32xf32, #tpu.memory_space<vmem>>, %arg10: memref<128x32xf32, #tpu.memory_space<vmem>>, %arg11: memref<10240x32xf32, #tpu.memory_space<vmem_shared>>, %arg12: memref<10240x32xf32, #tpu.memory_space<vmem_shared>>, %arg13: memref<!tpu.dma_semaphore, #tpu.memory_space<semaphore_mem>>, %arg14: memref<!tpu.dma_semaphore, #tpu.memory_space<semaphore_mem>>) attributes {dimension_semantics = [#tpu.dimension_semantics<core_parallel>, #tpu.dimension_semantics<subcore_parallel>], iteration_bounds = array<i64: 2, 16>, scalar_prefetch = 0 : i64, scratch_operands = 8 : i64, tpu.core_type = #tpu.core_type<sc_vector_subcore>, window_params = [{transform_indices = #map}, {transform_indices = #map1}, {transform_indices = #map2}, {transform_indices = #map}, {transform_indices = #map2}]} {
    %mul3A = arith.constant 2 : i32
    %mul3A_0 = arith.muli %arg1, %mul3A : i32
    %add3A = arith.addi %mul3A_0, %arg0 : i32
    %mul3A_1 = arith.constant 10240 : i32
    %mul3A_2 = arith.muli %add3A, %mul3A_1 : i32
    %dma_start3A = tpu.memref_slice %arg3[%mul3A_2] : memref<327680xi32, #tpu.memory_space<hbm>> -> memref<10240xi32, #tpu.memory_space<hbm>>
    %dma_start3A_3 = tpu.memref_slice %arg3[%mul3A_2] : memref<327680xi32, #tpu.memory_space<hbm>> -> memref<10240xi32, #tpu.memory_space<hbm>>
    tpu.enqueue_dma source(%dma_start3A_3 : memref<10240xi32, #tpu.memory_space<hbm>>) target(%arg7 : memref<10240xi32, #tpu.memory_space<vmem>>) target_semaphore(%arg13 : memref<!tpu.dma_semaphore, #tpu.memory_space<semaphore_mem>>)
    %dma_start3A_4 = arith.constant 0 : i32
    %dma_start3A_5 = arith.constant 0 : i32
    %dma_start3A_6 = tpu.memref_slice %arg4[%add3A, %dma_start3A_4, %dma_start3A_5] : memref<32x80x128xi32, #tpu.memory_space<hbm>> -> memref<1x80x128xi32, #tpu.memory_space<hbm>>
    %dma_start3A_7 = tpu.memref_squeeze %dma_start3A_6 : memref<1x80x128xi32, #tpu.memory_space<hbm>> -> memref<80x128xi32, #tpu.memory_space<hbm>>
    %dma_start3A_8 = arith.constant 0 : i32
    %dma_start3A_9 = arith.constant 0 : i32
    %dma_start3A_10 = tpu.memref_slice %arg4[%add3A, %dma_start3A_8, %dma_start3A_9] : memref<32x80x128xi32, #tpu.memory_space<hbm>> -> memref<1x80x128xi32, #tpu.memory_space<hbm>>
    %dma_start3A_11 = tpu.memref_squeeze %dma_start3A_10 : memref<1x80x128xi32, #tpu.memory_space<hbm>> -> memref<80x128xi32, #tpu.memory_space<hbm>>
    tpu.enqueue_dma source(%dma_start3A_11 : memref<80x128xi32, #tpu.memory_space<hbm>>) target(%arg8 : memref<80x128xi32, #tpu.memory_space<vmem>>) target_semaphore(%arg13 : memref<!tpu.dma_semaphore, #tpu.memory_space<semaphore_mem>>)
    %mul3A_12 = arith.constant 640 : i32
    %mul3A_13 = arith.muli %arg1, %mul3A_12 : i32
    %dma_start3A_14 = arith.constant 0 : i32
    %dma_start3A_15 = tpu.memref_slice %arg11[%mul3A_13, %dma_start3A_14] : memref<10240x32xf32, #tpu.memory_space<vmem_shared>> -> memref<640x32xf32, #tpu.memory_space<vmem_shared>>
    %dma_start3A_16 = arith.constant 0 : i32
    %dma_start3A_17 = arith.constant 0 : i32
    %dma_start3A_18 = tpu.memref_slice %arg5[%dma_start3A_16, %dma_start3A_17] : memref<640x32xf32, #tpu.memory_space<hbm>> -> memref<640x32xf32, #tpu.memory_space<hbm>>
    tpu.enqueue_dma source(%dma_start3A_18 : memref<640x32xf32, #tpu.memory_space<hbm>>) target(%dma_start3A_15 : memref<640x32xf32, #tpu.memory_space<vmem_shared>>) target_semaphore(%arg13 : memref<!tpu.dma_semaphore, #tpu.memory_space<semaphore_mem>>)
    %mul3A_19 = arith.constant 640 : i32
    %mul3A_20 = arith.muli %arg1, %mul3A_19 : i32
    %mul3A_21 = arith.constant 640 : i32
    %mul3A_22 = arith.muli %arg1, %mul3A_21 : i32
    %dma_start3A_23 = arith.constant 0 : i32
    %dma_start3A_24 = tpu.memref_slice %arg12[%mul3A_22, %dma_start3A_23] : memref<10240x32xf32, #tpu.memory_space<vmem_shared>> -> memref<640x32xf32, #tpu.memory_space<vmem_shared>>
    %dma_start3A_25 = arith.constant 0 : i32
    %dma_start3A_26 = tpu.memref_slice %arg2[%mul3A_20, %dma_start3A_25] : memref<10240x32xf32, #tpu.memory_space<hbm>> -> memref<640x32xf32, #tpu.memory_space<hbm>>
    tpu.enqueue_dma source(%dma_start3A_26 : memref<640x32xf32, #tpu.memory_space<hbm>>) target(%dma_start3A_24 : memref<640x32xf32, #tpu.memory_space<vmem_shared>>) target_semaphore(%arg13 : memref<!tpu.dma_semaphore, #tpu.memory_space<semaphore_mem>>)
    %dma_wait3A = tpu.memref_slice %arg3[%mul3A_2] : memref<327680xi32, #tpu.memory_space<hbm>> -> memref<10240xi32, #tpu.memory_space<hbm>>
    %dma_wait3A_27 = tpu.memref_slice %arg3[%mul3A_2] : memref<327680xi32, #tpu.memory_space<hbm>> -> memref<10240xi32, #tpu.memory_space<hbm>>
    tpu.wait_dma2 semaphore(%arg13 : memref<!tpu.dma_semaphore, #tpu.memory_space<semaphore_mem>>) src(%dma_wait3A_27 : memref<10240xi32, #tpu.memory_space<hbm>>) dst(%arg7 : memref<10240xi32, #tpu.memory_space<vmem>>)
    %dma_wait3A_28 = arith.constant 0 : i32
    %dma_wait3A_29 = arith.constant 0 : i32
    %dma_wait3A_30 = tpu.memref_slice %arg4[%add3A, %dma_wait3A_28, %dma_wait3A_29] : memref<32x80x128xi32, #tpu.memory_space<hbm>> -> memref<1x80x128xi32, #tpu.memory_space<hbm>>
    %dma_wait3A_31 = tpu.memref_squeeze %dma_wait3A_30 : memref<1x80x128xi32, #tpu.memory_space<hbm>> -> memref<80x128xi32, #tpu.memory_space<hbm>>
    %dma_wait3A_32 = arith.constant 0 : i32
    %dma_wait3A_33 = arith.constant 0 : i32
    %dma_wait3A_34 = tpu.memref_slice %arg4[%add3A, %dma_wait3A_32, %dma_wait3A_33] : memref<32x80x128xi32, #tpu.memory_space<hbm>> -> memref<1x80x128xi32, #tpu.memory_space<hbm>>
    %dma_wait3A_35 = tpu.memref_squeeze %dma_wait3A_34 : memref<1x80x128xi32, #tpu.memory_space<hbm>> -> memref<80x128xi32, #tpu.memory_space<hbm>>
    tpu.wait_dma2 semaphore(%arg13 : memref<!tpu.dma_semaphore, #tpu.memory_space<semaphore_mem>>) src(%dma_wait3A_35 : memref<80x128xi32, #tpu.memory_space<hbm>>) dst(%arg8 : memref<80x128xi32, #tpu.memory_space<vmem>>)
    %dma_wait3A_36 = arith.constant 0 : i32
    %dma_wait3A_37 = tpu.memref_slice %arg11[%mul3A_13, %dma_wait3A_36] : memref<10240x32xf32, #tpu.memory_space<vmem_shared>> -> memref<640x32xf32, #tpu.memory_space<vmem_shared>>
    %dma_wait3A_38 = arith.constant 0 : i32
    %dma_wait3A_39 = arith.constant 0 : i32
    %dma_wait3A_40 = tpu.memref_slice %arg5[%dma_wait3A_38, %dma_wait3A_39] : memref<640x32xf32, #tpu.memory_space<hbm>> -> memref<640x32xf32, #tpu.memory_space<hbm>>
    tpu.wait_dma2 semaphore(%arg13 : memref<!tpu.dma_semaphore, #tpu.memory_space<semaphore_mem>>) src(%dma_wait3A_40 : memref<640x32xf32, #tpu.memory_space<hbm>>) dst(%dma_wait3A_37 : memref<640x32xf32, #tpu.memory_space<vmem_shared>>)
    %dma_wait3A_41 = arith.constant 0 : i32
    %dma_wait3A_42 = tpu.memref_slice %arg12[%mul3A_22, %dma_wait3A_41] : memref<10240x32xf32, #tpu.memory_space<vmem_shared>> -> memref<640x32xf32, #tpu.memory_space<vmem_shared>>
    %dma_wait3A_43 = arith.constant 0 : i32
    %dma_wait3A_44 = tpu.memref_slice %arg2[%mul3A_20, %dma_wait3A_43] : memref<10240x32xf32, #tpu.memory_space<hbm>> -> memref<640x32xf32, #tpu.memory_space<hbm>>
    tpu.wait_dma2 semaphore(%arg13 : memref<!tpu.dma_semaphore, #tpu.memory_space<semaphore_mem>>) src(%dma_wait3A_44 : memref<640x32xf32, #tpu.memory_space<hbm>>) dst(%dma_wait3A_42 : memref<640x32xf32, #tpu.memory_space<vmem_shared>>)
    %barrier3A = arith.constant 0 : index
    tpu.barrier barrier_id(%barrier3A)
    %dma_start3A_45 = arith.constant 0 : i32
    %dma_start3A_46 = tpu.memref_slice %arg7[%dma_start3A_45] : memref<10240xi32, #tpu.memory_space<vmem>> -> memref<128xi32, #tpu.memory_space<vmem>>
    %dma_start3A_47 = arith.constant 0 : i32
    %dma_start3A_48 = arith.constant 0 : i32
    %dma_start3A_49 = tpu.memref_slice %arg12[%dma_start3A_47, %dma_start3A_48] : memref<10240x32xf32, #tpu.memory_space<vmem_shared>> -> memref<10240x32xf32, #tpu.memory_space<vmem_shared>>
    tpu.enqueue_indirect_dma source(%dma_start3A_49 : memref<10240x32xf32, #tpu.memory_space<vmem_shared>>) target(%arg9 : memref<128x32xf32, #tpu.memory_space<vmem>>) offsets(%dma_start3A_46 : memref<128xi32, #tpu.memory_space<vmem>>) semaphore(%arg13 : memref<!tpu.dma_semaphore, #tpu.memory_space<semaphore_mem>>)
    %dma_start3A_50 = arith.constant 128 : i32
    %dma_start3A_51 = tpu.memref_slice %arg7[%dma_start3A_50] : memref<10240xi32, #tpu.memory_space<vmem>> -> memref<128xi32, #tpu.memory_space<vmem>>
    %dma_start3A_52 = arith.constant 0 : i32
    %dma_start3A_53 = arith.constant 0 : i32
    %dma_start3A_54 = tpu.memref_slice %arg12[%dma_start3A_52, %dma_start3A_53] : memref<10240x32xf32, #tpu.memory_space<vmem_shared>> -> memref<10240x32xf32, #tpu.memory_space<vmem_shared>>
    tpu.enqueue_indirect_dma source(%dma_start3A_54 : memref<10240x32xf32, #tpu.memory_space<vmem_shared>>) target(%arg10 : memref<128x32xf32, #tpu.memory_space<vmem>>) offsets(%dma_start3A_51 : memref<128xi32, #tpu.memory_space<vmem>>) semaphore(%arg14 : memref<!tpu.dma_semaphore, #tpu.memory_space<semaphore_mem>>)
    %scan3A = arith.constant 0 : i32
    %scan3A_55 = arith.constant 0 : i32
    %scan3A_56 = arith.constant 39 : i32
    %scan3A_57 = arith.addi %scan3A_55, %scan3A_56 : i32
    %scan3A_58 = arith.constant 1 : i32
    scf.for %scan3A_76 = %scan3A_55 to %scan3A_57 step %scan3A_58  : i32 {
      %mul3A_77 = arith.constant 2 : i32
      %mul3A_78 = arith.muli %scan3A_76, %mul3A_77 : i32
      %dma_wait3A_79 = arith.constant 0 : i32
      %dma_wait3A_80 = tpu.memref_slice %arg7[%dma_wait3A_79] : memref<10240xi32, #tpu.memory_space<vmem>> -> memref<128xi32, #tpu.memory_space<vmem>>
      %dma_wait3A_81 = arith.constant 0 : i32
      %dma_wait3A_82 = arith.constant 0 : i32
      %dma_wait3A_83 = tpu.memref_slice %arg12[%dma_wait3A_81, %dma_wait3A_82] : memref<10240x32xf32, #tpu.memory_space<vmem_shared>> -> memref<10240x32xf32, #tpu.memory_space<vmem_shared>>
      tpu.wait_indirect_dma semaphore(%arg13 : memref<!tpu.dma_semaphore, #tpu.memory_space<semaphore_mem>>) src(%dma_wait3A_83 : memref<10240x32xf32, #tpu.memory_space<vmem_shared>>) dst(%arg9 : memref<128x32xf32, #tpu.memory_space<vmem>>)
      "tpu.region"() ({
        %run_scoped3A_109 = tpu.sem_alloc : memref<!tpu.dma_semaphore, #tpu.memory_space<semaphore_mem>>
        %dma_start3A_110 = arith.constant 0 : i32
        %dma_start3A_111 = tpu.memref_slice %arg8[%mul3A_78, %dma_start3A_110] : memref<80x128xi32, #tpu.memory_space<vmem>> -> memref<1x128xi32, #tpu.memory_space<vmem>>
        %dma_start3A_112 = tpu.memref_squeeze %dma_start3A_111 : memref<1x128xi32, #tpu.memory_space<vmem>> -> memref<128xi32, #tpu.memory_space<vmem>>
        %dma_start3A_113 = arith.constant 0 : i32
        %dma_start3A_114 = arith.constant 0 : i32
        %dma_start3A_115 = tpu.memref_slice %arg11[%dma_start3A_113, %dma_start3A_114] : memref<10240x32xf32, #tpu.memory_space<vmem_shared>> -> memref<10240x32xf32, #tpu.memory_space<vmem_shared>>
        tpu.enqueue_indirect_dma source(%arg9 : memref<128x32xf32, #tpu.memory_space<vmem>>) target(%dma_start3A_115 : memref<10240x32xf32, #tpu.memory_space<vmem_shared>>) offsets(%dma_start3A_112 : memref<128xi32, #tpu.memory_space<vmem>>) semaphore(%run_scoped3A_109 : memref<!tpu.dma_semaphore, #tpu.memory_space<semaphore_mem>>) {add = true}
        %dma_wait3A_116 = arith.constant 0 : i32
        %dma_wait3A_117 = tpu.memref_slice %arg8[%mul3A_78, %dma_wait3A_116] : memref<80x128xi32, #tpu.memory_space<vmem>> -> memref<1x128xi32, #tpu.memory_space<vmem>>
        %dma_wait3A_118 = tpu.memref_squeeze %dma_wait3A_117 : memref<1x128xi32, #tpu.memory_space<vmem>> -> memref<128xi32, #tpu.memory_space<vmem>>
        %dma_wait3A_119 = arith.constant 0 : i32
        %dma_wait3A_120 = arith.constant 0 : i32
        %dma_wait3A_121 = tpu.memref_slice %arg11[%dma_wait3A_119, %dma_wait3A_120] : memref<10240x32xf32, #tpu.memory_space<vmem_shared>> -> memref<10240x32xf32, #tpu.memory_space<vmem_shared>>
        tpu.wait_indirect_dma semaphore(%run_scoped3A_109 : memref<!tpu.dma_semaphore, #tpu.memory_space<semaphore_mem>>) src(%arg9 : memref<128x32xf32, #tpu.memory_space<vmem>>) dst(%dma_wait3A_121 : memref<10240x32xf32, #tpu.memory_space<vmem_shared>>)
        tpu.yield
      }) : () -> ()
      %add3A_84 = arith.constant 2 : i32
      %add3A_85 = arith.addi %mul3A_78, %add3A_84 : i32
      %mul3A_86 = arith.constant 128 : i32
      %mul3A_87 = arith.muli %add3A_85, %mul3A_86 : i32
      %dma_start3A_88 = tpu.memref_slice %arg7[%mul3A_87] : memref<10240xi32, #tpu.memory_space<vmem>> -> memref<128xi32, #tpu.memory_space<vmem>>
      %dma_start3A_89 = arith.constant 0 : i32
      %dma_start3A_90 = arith.constant 0 : i32
      %dma_start3A_91 = tpu.memref_slice %arg12[%dma_start3A_89, %dma_start3A_90] : memref<10240x32xf32, #tpu.memory_space<vmem_shared>> -> memref<10240x32xf32, #tpu.memory_space<vmem_shared>>
      tpu.enqueue_indirect_dma source(%dma_start3A_91 : memref<10240x32xf32, #tpu.memory_space<vmem_shared>>) target(%arg9 : memref<128x32xf32, #tpu.memory_space<vmem>>) offsets(%dma_start3A_88 : memref<128xi32, #tpu.memory_space<vmem>>) semaphore(%arg13 : memref<!tpu.dma_semaphore, #tpu.memory_space<semaphore_mem>>)
      %mul3A_92 = arith.constant 2 : i32
      %mul3A_93 = arith.muli %scan3A_76, %mul3A_92 : i32
      %add3A_94 = arith.constant 1 : i32
      %add3A_95 = arith.addi %mul3A_93, %add3A_94 : i32
      %dma_wait3A_96 = arith.constant 0 : i32
      %dma_wait3A_97 = tpu.memref_slice %arg7[%dma_wait3A_96] : memref<10240xi32, #tpu.memory_space<vmem>> -> memref<128xi32, #tpu.memory_space<vmem>>
      %dma_wait3A_98 = arith.constant 0 : i32
      %dma_wait3A_99 = arith.constant 0 : i32
      %dma_wait3A_100 = tpu.memref_slice %arg12[%dma_wait3A_98, %dma_wait3A_99] : memref<10240x32xf32, #tpu.memory_space<vmem_shared>> -> memref<10240x32xf32, #tpu.memory_space<vmem_shared>>
      tpu.wait_indirect_dma semaphore(%arg14 : memref<!tpu.dma_semaphore, #tpu.memory_space<semaphore_mem>>) src(%dma_wait3A_100 : memref<10240x32xf32, #tpu.memory_space<vmem_shared>>) dst(%arg10 : memref<128x32xf32, #tpu.memory_space<vmem>>)
      "tpu.region"() ({
        %run_scoped3A_109 = tpu.sem_alloc : memref<!tpu.dma_semaphore, #tpu.memory_space<semaphore_mem>>
        %dma_start3A_110 = arith.constant 0 : i32
        %dma_start3A_111 = tpu.memref_slice %arg8[%add3A_95, %dma_start3A_110] : memref<80x128xi32, #tpu.memory_space<vmem>> -> memref<1x128xi32, #tpu.memory_space<vmem>>
        %dma_start3A_112 = tpu.memref_squeeze %dma_start3A_111 : memref<1x128xi32, #tpu.memory_space<vmem>> -> memref<128xi32, #tpu.memory_space<vmem>>
        %dma_start3A_113 = arith.constant 0 : i32
        %dma_start3A_114 = arith.constant 0 : i32
        %dma_start3A_115 = tpu.memref_slice %arg11[%dma_start3A_113, %dma_start3A_114] : memref<10240x32xf32, #tpu.memory_space<vmem_shared>> -> memref<10240x32xf32, #tpu.memory_space<vmem_shared>>
        tpu.enqueue_indirect_dma source(%arg10 : memref<128x32xf32, #tpu.memory_space<vmem>>) target(%dma_start3A_115 : memref<10240x32xf32, #tpu.memory_space<vmem_shared>>) offsets(%dma_start3A_112 : memref<128xi32, #tpu.memory_space<vmem>>) semaphore(%run_scoped3A_109 : memref<!tpu.dma_semaphore, #tpu.memory_space<semaphore_mem>>) {add = true}
        %dma_wait3A_116 = arith.constant 0 : i32
        %dma_wait3A_117 = tpu.memref_slice %arg8[%add3A_95, %dma_wait3A_116] : memref<80x128xi32, #tpu.memory_space<vmem>> -> memref<1x128xi32, #tpu.memory_space<vmem>>
        %dma_wait3A_118 = tpu.memref_squeeze %dma_wait3A_117 : memref<1x128xi32, #tpu.memory_space<vmem>> -> memref<128xi32, #tpu.memory_space<vmem>>
        %dma_wait3A_119 = arith.constant 0 : i32
        %dma_wait3A_120 = arith.constant 0 : i32
        %dma_wait3A_121 = tpu.memref_slice %arg11[%dma_wait3A_119, %dma_wait3A_120] : memref<10240x32xf32, #tpu.memory_space<vmem_shared>> -> memref<10240x32xf32, #tpu.memory_space<vmem_shared>>
        tpu.wait_indirect_dma semaphore(%run_scoped3A_109 : memref<!tpu.dma_semaphore, #tpu.memory_space<semaphore_mem>>) src(%arg10 : memref<128x32xf32, #tpu.memory_space<vmem>>) dst(%dma_wait3A_121 : memref<10240x32xf32, #tpu.memory_space<vmem_shared>>)
        tpu.yield
      }) : () -> ()
      %add3A_101 = arith.constant 2 : i32
      %add3A_102 = arith.addi %add3A_95, %add3A_101 : i32
      %mul3A_103 = arith.constant 128 : i32
      %mul3A_104 = arith.muli %add3A_102, %mul3A_103 : i32
      %dma_start3A_105 = tpu.memref_slice %arg7[%mul3A_104] : memref<10240xi32, #tpu.memory_space<vmem>> -> memref<128xi32, #tpu.memory_space<vmem>>
      %dma_start3A_106 = arith.constant 0 : i32
      %dma_start3A_107 = arith.constant 0 : i32
      %dma_start3A_108 = tpu.memref_slice %arg12[%dma_start3A_106, %dma_start3A_107] : memref<10240x32xf32, #tpu.memory_space<vmem_shared>> -> memref<10240x32xf32, #tpu.memory_space<vmem_shared>>
      tpu.enqueue_indirect_dma source(%dma_start3A_108 : memref<10240x32xf32, #tpu.memory_space<vmem_shared>>) target(%arg10 : memref<128x32xf32, #tpu.memory_space<vmem>>) offsets(%dma_start3A_105 : memref<128xi32, #tpu.memory_space<vmem>>) semaphore(%arg14 : memref<!tpu.dma_semaphore, #tpu.memory_space<semaphore_mem>>)
    }
    %scan3A_59 = arith.constant 39 : i32
    %dma_wait3A_60 = arith.constant 0 : i32
    %dma_wait3A_61 = tpu.memref_slice %arg7[%dma_wait3A_60] : memref<10240xi32, #tpu.memory_space<vmem>> -> memref<128xi32, #tpu.memory_space<vmem>>
    %dma_wait3A_62 = arith.constant 0 : i32
    %dma_wait3A_63 = arith.constant 0 : i32
    %dma_wait3A_64 = tpu.memref_slice %arg12[%dma_wait3A_62, %dma_wait3A_63] : memref<10240x32xf32, #tpu.memory_space<vmem_shared>> -> memref<10240x32xf32, #tpu.memory_space<vmem_shared>>
    tpu.wait_indirect_dma semaphore(%arg13 : memref<!tpu.dma_semaphore, #tpu.memory_space<semaphore_mem>>) src(%dma_wait3A_64 : memref<10240x32xf32, #tpu.memory_space<vmem_shared>>) dst(%arg9 : memref<128x32xf32, #tpu.memory_space<vmem>>)
    %run_scoped3A = arith.constant 78 : i32
    "tpu.region"() ({
      %run_scoped3A_76 = tpu.sem_alloc : memref<!tpu.dma_semaphore, #tpu.memory_space<semaphore_mem>>
      %dma_start3A_77 = arith.constant 0 : i32
      %dma_start3A_78 = tpu.memref_slice %arg8[%run_scoped3A, %dma_start3A_77] : memref<80x128xi32, #tpu.memory_space<vmem>> -> memref<1x128xi32, #tpu.memory_space<vmem>>
      %dma_start3A_79 = tpu.memref_squeeze %dma_start3A_78 : memref<1x128xi32, #tpu.memory_space<vmem>> -> memref<128xi32, #tpu.memory_space<vmem>>
      %dma_start3A_80 = arith.constant 0 : i32
      %dma_start3A_81 = arith.constant 0 : i32
      %dma_start3A_82 = tpu.memref_slice %arg11[%dma_start3A_80, %dma_start3A_81] : memref<10240x32xf32, #tpu.memory_space<vmem_shared>> -> memref<10240x32xf32, #tpu.memory_space<vmem_shared>>
      tpu.enqueue_indirect_dma source(%arg9 : memref<128x32xf32, #tpu.memory_space<vmem>>) target(%dma_start3A_82 : memref<10240x32xf32, #tpu.memory_space<vmem_shared>>) offsets(%dma_start3A_79 : memref<128xi32, #tpu.memory_space<vmem>>) semaphore(%run_scoped3A_76 : memref<!tpu.dma_semaphore, #tpu.memory_space<semaphore_mem>>) {add = true}
      %dma_wait3A_83 = arith.constant 0 : i32
      %dma_wait3A_84 = tpu.memref_slice %arg8[%run_scoped3A, %dma_wait3A_83] : memref<80x128xi32, #tpu.memory_space<vmem>> -> memref<1x128xi32, #tpu.memory_space<vmem>>
      %dma_wait3A_85 = tpu.memref_squeeze %dma_wait3A_84 : memref<1x128xi32, #tpu.memory_space<vmem>> -> memref<128xi32, #tpu.memory_space<vmem>>
      %dma_wait3A_86 = arith.constant 0 : i32
      %dma_wait3A_87 = arith.constant 0 : i32
      %dma_wait3A_88 = tpu.memref_slice %arg11[%dma_wait3A_86, %dma_wait3A_87] : memref<10240x32xf32, #tpu.memory_space<vmem_shared>> -> memref<10240x32xf32, #tpu.memory_space<vmem_shared>>
      tpu.wait_indirect_dma semaphore(%run_scoped3A_76 : memref<!tpu.dma_semaphore, #tpu.memory_space<semaphore_mem>>) src(%arg9 : memref<128x32xf32, #tpu.memory_space<vmem>>) dst(%dma_wait3A_88 : memref<10240x32xf32, #tpu.memory_space<vmem_shared>>)
      tpu.yield
    }) : () -> ()
    %dma_wait3A_65 = arith.constant 0 : i32
    %dma_wait3A_66 = tpu.memref_slice %arg7[%dma_wait3A_65] : memref<10240xi32, #tpu.memory_space<vmem>> -> memref<128xi32, #tpu.memory_space<vmem>>
    %dma_wait3A_67 = arith.constant 0 : i32
    %dma_wait3A_68 = arith.constant 0 : i32
    %dma_wait3A_69 = tpu.memref_slice %arg12[%dma_wait3A_67, %dma_wait3A_68] : memref<10240x32xf32, #tpu.memory_space<vmem_shared>> -> memref<10240x32xf32, #tpu.memory_space<vmem_shared>>
    tpu.wait_indirect_dma semaphore(%arg14 : memref<!tpu.dma_semaphore, #tpu.memory_space<semaphore_mem>>) src(%dma_wait3A_69 : memref<10240x32xf32, #tpu.memory_space<vmem_shared>>) dst(%arg10 : memref<128x32xf32, #tpu.memory_space<vmem>>)
    %run_scoped3A_70 = arith.constant 79 : i32
    "tpu.region"() ({
      %run_scoped3A_76 = tpu.sem_alloc : memref<!tpu.dma_semaphore, #tpu.memory_space<semaphore_mem>>
      %dma_start3A_77 = arith.constant 0 : i32
      %dma_start3A_78 = tpu.memref_slice %arg8[%run_scoped3A_70, %dma_start3A_77] : memref<80x128xi32, #tpu.memory_space<vmem>> -> memref<1x128xi32, #tpu.memory_space<vmem>>
      %dma_start3A_79 = tpu.memref_squeeze %dma_start3A_78 : memref<1x128xi32, #tpu.memory_space<vmem>> -> memref<128xi32, #tpu.memory_space<vmem>>
      %dma_start3A_80 = arith.constant 0 : i32
      %dma_start3A_81 = arith.constant 0 : i32
      %dma_start3A_82 = tpu.memref_slice %arg11[%dma_start3A_80, %dma_start3A_81] : memref<10240x32xf32, #tpu.memory_space<vmem_shared>> -> memref<10240x32xf32, #tpu.memory_space<vmem_shared>>
      tpu.enqueue_indirect_dma source(%arg10 : memref<128x32xf32, #tpu.memory_space<vmem>>) target(%dma_start3A_82 : memref<10240x32xf32, #tpu.memory_space<vmem_shared>>) offsets(%dma_start3A_79 : memref<128xi32, #tpu.memory_space<vmem>>) semaphore(%run_scoped3A_76 : memref<!tpu.dma_semaphore, #tpu.memory_space<semaphore_mem>>) {add = true}
      %dma_wait3A_83 = arith.constant 0 : i32
      %dma_wait3A_84 = tpu.memref_slice %arg8[%run_scoped3A_70, %dma_wait3A_83] : memref<80x128xi32, #tpu.memory_space<vmem>> -> memref<1x128xi32, #tpu.memory_space<vmem>>
      %dma_wait3A_85 = tpu.memref_squeeze %dma_wait3A_84 : memref<1x128xi32, #tpu.memory_space<vmem>> -> memref<128xi32, #tpu.memory_space<vmem>>
      %dma_wait3A_86 = arith.constant 0 : i32
      %dma_wait3A_87 = arith.constant 0 : i32
      %dma_wait3A_88 = tpu.memref_slice %arg11[%dma_wait3A_86, %dma_wait3A_87] : memref<10240x32xf32, #tpu.memory_space<vmem_shared>> -> memref<10240x32xf32, #tpu.memory_space<vmem_shared>>
      tpu.wait_indirect_dma semaphore(%run_scoped3A_76 : memref<!tpu.dma_semaphore, #tpu.memory_space<semaphore_mem>>) src(%arg10 : memref<128x32xf32, #tpu.memory_space<vmem>>) dst(%dma_wait3A_88 : memref<10240x32xf32, #tpu.memory_space<vmem_shared>>)
      tpu.yield
    }) : () -> ()
    %barrier3A_71 = arith.constant 0 : index
    tpu.barrier barrier_id(%barrier3A_71)
    %mul3A_72 = arith.constant 640 : i32
    %mul3A_73 = arith.muli %arg1, %mul3A_72 : i32
    %mul3A_74 = arith.constant 640 : i32
    %mul3A_75 = arith.muli %arg1, %mul3A_74 : i32
    "tpu.region"() ({
      %run_scoped3A_76 = tpu.sem_alloc : memref<!tpu.dma_semaphore, #tpu.memory_space<semaphore_mem>>
      %dma_start3A_77 = arith.constant 0 : i32
      %dma_start3A_78 = tpu.memref_slice %arg6[%arg0, %mul3A_75, %dma_start3A_77] : memref<2x10240x32xf32, #tpu.memory_space<hbm>> -> memref<1x640x32xf32, #tpu.memory_space<hbm>>
      %dma_start3A_79 = tpu.memref_squeeze %dma_start3A_78 : memref<1x640x32xf32, #tpu.memory_space<hbm>> -> memref<640x32xf32, #tpu.memory_space<hbm>>
      %dma_start3A_80 = arith.constant 0 : i32
      %dma_start3A_81 = tpu.memref_slice %arg11[%mul3A_73, %dma_start3A_80] : memref<10240x32xf32, #tpu.memory_space<vmem_shared>> -> memref<640x32xf32, #tpu.memory_space<vmem_shared>>
      tpu.enqueue_dma source(%dma_start3A_81 : memref<640x32xf32, #tpu.memory_space<vmem_shared>>) target(%dma_start3A_79 : memref<640x32xf32, #tpu.memory_space<hbm>>) target_semaphore(%run_scoped3A_76 : memref<!tpu.dma_semaphore, #tpu.memory_space<semaphore_mem>>)
      %dma_wait3A_82 = arith.constant 0 : i32
      %dma_wait3A_83 = tpu.memref_slice %arg6[%arg0, %mul3A_75, %dma_wait3A_82] : memref<2x10240x32xf32, #tpu.memory_space<hbm>> -> memref<1x640x32xf32, #tpu.memory_space<hbm>>
      %dma_wait3A_84 = tpu.memref_squeeze %dma_wait3A_83 : memref<1x640x32xf32, #tpu.memory_space<hbm>> -> memref<640x32xf32, #tpu.memory_space<hbm>>
      %dma_wait3A_85 = arith.constant 0 : i32
      %dma_wait3A_86 = tpu.memref_slice %arg11[%mul3A_73, %dma_wait3A_85] : memref<10240x32xf32, #tpu.memory_space<vmem_shared>> -> memref<640x32xf32, #tpu.memory_space<vmem_shared>>
      tpu.wait_dma2 semaphore(%run_scoped3A_76 : memref<!tpu.dma_semaphore, #tpu.memory_space<semaphore_mem>>) src(%dma_wait3A_86 : memref<640x32xf32, #tpu.memory_space<vmem_shared>>) dst(%dma_wait3A_84 : memref<640x32xf32, #tpu.memory_space<hbm>>)
      tpu.yield
    }) : () -> ()
    return
  }
}

module attributes {stable_mosaic.version = 14 : i64} {
  func.func @_tc1_body(%arg0: memref<10000x128xf32, #tpu.memory_space<vmem>>, %arg1: memref<128x64xf32, #tpu.memory_space<vmem>>, %arg2: memref<2x10240x16xf32, #tpu.memory_space<vmem>>, %arg3: memref<10240x64xf32, #tpu.memory_space<vmem>>, %arg4: memref<10240x16xf32, #tpu.memory_space<vmem>>) attributes {dimension_semantics = [], scalar_prefetch = 0 : i64, scratch_operands = 0 : i64, tpu.core_type = #tpu.core_type<tc>} {
    %get3A = arith.constant 0 : index
    %get3A_0 = arith.constant 0 : index
    %get3A_1 = arith.constant 0 : index
    %get3A_2 = vector.load %arg2[%get3A, %get3A_0, %get3A_1] : memref<2x10240x16xf32, #tpu.memory_space<vmem>>, vector<1x10240x16xf32>
    %get3A_3 = vector.shape_cast %get3A_2 : vector<1x10240x16xf32> to vector<10240x16xf32>
    %get3A_4 = arith.constant 1 : index
    %get3A_5 = arith.constant 0 : index
    %get3A_6 = arith.constant 0 : index
    %get3A_7 = vector.load %arg2[%get3A_4, %get3A_5, %get3A_6] : memref<2x10240x16xf32, #tpu.memory_space<vmem>>, vector<1x10240x16xf32>
    %get3A_8 = vector.shape_cast %get3A_7 : vector<1x10240x16xf32> to vector<10240x16xf32>
    %add3A = arith.addf %get3A_3, %get3A_8 : vector<10240x16xf32>
    %add3A_9 = arith.constant 1.000000e+00 : f32
    %add3A_10 = vector.broadcast %add3A_9 : f32 to vector<10240x16xf32>
    %add3A_11 = arith.addf %add3A, %add3A_10 : vector<10240x16xf32>
    %rsqrt3A = math.rsqrt %add3A_11 : vector<10240x16xf32>
    %get3A_12 = arith.constant 0 : index
    %get3A_13 = arith.constant 0 : index
    %get3A_14 = vector.load %arg0[%get3A_12, %get3A_13] : memref<10000x128xf32, #tpu.memory_space<vmem>>, vector<10000x128xf32>
    %get3A_15 = arith.constant 0 : index
    %get3A_16 = arith.constant 0 : index
    %get3A_17 = vector.load %arg1[%get3A_15, %get3A_16] : memref<128x64xf32, #tpu.memory_space<vmem>>, vector<128x64xf32>
    %dot_general3A = arith.constant dense<0.000000e+00> : vector<10000x64xf32>
    %dot_general3A_18 = tpu.matmul %get3A_14, %get3A_17, %dot_general3A {dimension_numbers = #tpu.dot_dimension_numbers<[1], [0], [0], [1], [0, 0, 1, 1], [], []>, transpose_lhs_hint = false} : vector<10000x128xf32>, vector<128x64xf32>, vector<10000x64xf32> -> vector<10000x64xf32>
    %slice3A = vector.extract_strided_slice %rsqrt3A {offsets = [0, 0], sizes = [10000, 1], strides = [1, 1]} : vector<10240x16xf32> to vector<10000x1xf32>
    %mul3A = vector.broadcast %slice3A : vector<10000x1xf32> to vector<10000x64xf32>
    %mul3A_19 = arith.mulf %dot_general3A_18, %mul3A : vector<10000x64xf32>
    %swap3A = arith.constant 0 : index
    %swap3A_20 = arith.constant 0 : index
    %swap3A_21 = vector.load %arg3[%swap3A, %swap3A_20] : memref<10240x64xf32, #tpu.memory_space<vmem>>, vector<10000x64xf32>
    tpu.vector_store %arg3[%swap3A, %swap3A_20], %mul3A_19 {strides = array<i32>} : memref<10240x64xf32, #tpu.memory_space<vmem>>, vector<10000x64xf32>,
    %broadcast_in_dim3A = arith.constant 0.000000e+00 : f32
    %broadcast_in_dim3A_22 = vector.broadcast %broadcast_in_dim3A : f32 to vector<240x64xf32>
    %swap3A_23 = arith.constant 10000 : index
    %swap3A_24 = arith.constant 0 : index
    %swap3A_25 = vector.load %arg3[%swap3A_23, %swap3A_24] : memref<10240x64xf32, #tpu.memory_space<vmem>>, vector<240x64xf32>
    tpu.vector_store %arg3[%swap3A_23, %swap3A_24], %broadcast_in_dim3A_22 {strides = array<i32>} : memref<10240x64xf32, #tpu.memory_space<vmem>>, vector<240x64xf32>,
    %swap3A_26 = arith.constant 0 : index
    %swap3A_27 = arith.constant 0 : index
    %swap3A_28 = vector.load %arg4[%swap3A_26, %swap3A_27] : memref<10240x16xf32, #tpu.memory_space<vmem>>, vector<10240x16xf32>
    tpu.vector_store %arg4[%swap3A_26, %swap3A_27], %rsqrt3A {strides = array<i32>} : memref<10240x16xf32, #tpu.memory_space<vmem>>, vector<10240x16xf32>,
    return
  }
}

module attributes {stable_mosaic.version = 14 : i64} {
  func.func @_tc2_body(%arg0: memref<2x10240x64xf32, #tpu.memory_space<vmem>>, %arg1: memref<10240x64xf32, #tpu.memory_space<vmem>>, %arg2: memref<10240x16xf32, #tpu.memory_space<vmem>>, %arg3: memref<1x64xf32, #tpu.memory_space<vmem>>, %arg4: memref<64x32xf32, #tpu.memory_space<vmem>>, %arg5: memref<10240x32xf32, #tpu.memory_space<vmem>>) attributes {dimension_semantics = [], scalar_prefetch = 0 : i64, scratch_operands = 0 : i64, tpu.core_type = #tpu.core_type<tc>} {
    %get3A = arith.constant 0 : index
    %get3A_0 = arith.constant 0 : index
    %get3A_1 = vector.load %arg2[%get3A, %get3A_0] : memref<10240x16xf32, #tpu.memory_space<vmem>>, vector<10240x1xf32>
    %get3A_2 = arith.constant 0 : index
    %get3A_3 = arith.constant 0 : index
    %get3A_4 = arith.constant 0 : index
    %get3A_5 = vector.load %arg0[%get3A_2, %get3A_3, %get3A_4] : memref<2x10240x64xf32, #tpu.memory_space<vmem>>, vector<1x10240x64xf32>
    %get3A_6 = vector.shape_cast %get3A_5 : vector<1x10240x64xf32> to vector<10240x64xf32>
    %get3A_7 = arith.constant 1 : index
    %get3A_8 = arith.constant 0 : index
    %get3A_9 = arith.constant 0 : index
    %get3A_10 = vector.load %arg0[%get3A_7, %get3A_8, %get3A_9] : memref<2x10240x64xf32, #tpu.memory_space<vmem>>, vector<1x10240x64xf32>
    %get3A_11 = vector.shape_cast %get3A_10 : vector<1x10240x64xf32> to vector<10240x64xf32>
    %add3A = arith.addf %get3A_6, %get3A_11 : vector<10240x64xf32>
    %get3A_12 = arith.constant 0 : index
    %get3A_13 = arith.constant 0 : index
    %get3A_14 = vector.load %arg1[%get3A_12, %get3A_13] : memref<10240x64xf32, #tpu.memory_space<vmem>>, vector<10240x64xf32>
    %add3A_15 = arith.addf %add3A, %get3A_14 : vector<10240x64xf32>
    %mul3A = vector.broadcast %get3A_1 : vector<10240x1xf32> to vector<10240x64xf32>
    %mul3A_16 = arith.mulf %add3A_15, %mul3A : vector<10240x64xf32>
    %get3A_17 = arith.constant 0 : index
    %get3A_18 = arith.constant 0 : index
    %get3A_19 = vector.load %arg3[%get3A_17, %get3A_18] : memref<1x64xf32, #tpu.memory_space<vmem>>, vector<1x64xf32>
    %add3A_20 = vector.broadcast %get3A_19 : vector<1x64xf32> to vector<10240x64xf32>
    %add3A_21 = arith.addf %mul3A_16, %add3A_20 : vector<10240x64xf32>
    %max3A = arith.constant 0.000000e+00 : f32
    %max3A_22 = vector.broadcast %max3A : f32 to vector<10240x64xf32>
    %max3A_23 = arith.maximumf %add3A_21, %max3A_22 : vector<10240x64xf32>
    %get3A_24 = arith.constant 0 : index
    %get3A_25 = arith.constant 0 : index
    %get3A_26 = vector.load %arg4[%get3A_24, %get3A_25] : memref<64x32xf32, #tpu.memory_space<vmem>>, vector<64x32xf32>
    %dot_general3A = arith.constant dense<0.000000e+00> : vector<10240x32xf32>
    %dot_general3A_27 = tpu.matmul %max3A_23, %get3A_26, %dot_general3A {dimension_numbers = #tpu.dot_dimension_numbers<[1], [0], [0], [1], [0, 0, 1, 1], [], []>, transpose_lhs_hint = false} : vector<10240x64xf32>, vector<64x32xf32>, vector<10240x32xf32> -> vector<10240x32xf32>
    %mul3A_28 = vector.broadcast %get3A_1 : vector<10240x1xf32> to vector<10240x32xf32>
    %mul3A_29 = arith.mulf %dot_general3A_27, %mul3A_28 : vector<10240x32xf32>
    %swap3A = arith.constant 0 : index
    %swap3A_30 = arith.constant 0 : index
    %swap3A_31 = vector.load %arg5[%swap3A, %swap3A_30] : memref<10240x32xf32, #tpu.memory_space<vmem>>, vector<10240x32xf32>
    tpu.vector_store %arg5[%swap3A, %swap3A_30], %mul3A_29 {strides = array<i32>} : memref<10240x32xf32, #tpu.memory_space<vmem>>, vector<10240x32xf32>,
    return
  }
}

module attributes {stable_mosaic.version = 14 : i64} {
  func.func @_tc3_body(%arg0: memref<2x10240x32xf32, #tpu.memory_space<vmem>>, %arg1: memref<10240x32xf32, #tpu.memory_space<vmem>>, %arg2: memref<10240x16xf32, #tpu.memory_space<vmem>>, %arg3: memref<1x32xf32, #tpu.memory_space<vmem>>, %arg4: memref<1x10000xf32, #tpu.memory_space<vmem>>, %arg5: memref<64x32xf32, #tpu.memory_space<vmem>>) attributes {dimension_semantics = [], scalar_prefetch = 0 : i64, scratch_operands = 0 : i64, tpu.core_type = #tpu.core_type<tc>} {
    %get3A = arith.constant 0 : index
    %get3A_0 = arith.constant 0 : index
    %get3A_1 = vector.load %arg2[%get3A, %get3A_0] : memref<10240x16xf32, #tpu.memory_space<vmem>>, vector<10000x1xf32>
    %get3A_2 = arith.constant 0 : index
    %get3A_3 = arith.constant 0 : index
    %get3A_4 = arith.constant 0 : index
    %get3A_5 = vector.load %arg0[%get3A_2, %get3A_3, %get3A_4] : memref<2x10240x32xf32, #tpu.memory_space<vmem>>, vector<1x10000x32xf32>
    %get3A_6 = vector.shape_cast %get3A_5 : vector<1x10000x32xf32> to vector<10000x32xf32>
    %get3A_7 = arith.constant 1 : index
    %get3A_8 = arith.constant 0 : index
    %get3A_9 = arith.constant 0 : index
    %get3A_10 = vector.load %arg0[%get3A_7, %get3A_8, %get3A_9] : memref<2x10240x32xf32, #tpu.memory_space<vmem>>, vector<1x10000x32xf32>
    %get3A_11 = vector.shape_cast %get3A_10 : vector<1x10000x32xf32> to vector<10000x32xf32>
    %add3A = arith.addf %get3A_6, %get3A_11 : vector<10000x32xf32>
    %get3A_12 = arith.constant 0 : index
    %get3A_13 = arith.constant 0 : index
    %get3A_14 = vector.load %arg1[%get3A_12, %get3A_13] : memref<10240x32xf32, #tpu.memory_space<vmem>>, vector<10000x32xf32>
    %add3A_15 = arith.addf %add3A, %get3A_14 : vector<10000x32xf32>
    %mul3A = vector.broadcast %get3A_1 : vector<10000x1xf32> to vector<10000x32xf32>
    %mul3A_16 = arith.mulf %add3A_15, %mul3A : vector<10000x32xf32>
    %get3A_17 = arith.constant 0 : index
    %get3A_18 = arith.constant 0 : index
    %get3A_19 = vector.load %arg3[%get3A_17, %get3A_18] : memref<1x32xf32, #tpu.memory_space<vmem>>, vector<1x32xf32>
    %add3A_20 = vector.broadcast %get3A_19 : vector<1x32xf32> to vector<10000x32xf32>
    %add3A_21 = arith.addf %mul3A_16, %add3A_20 : vector<10000x32xf32>
    %iota3A = tpu.iota {dimensions = array<i32: 0>} : vector<64x10000xi32>
    %convert_element_type3A = arith.sitofp %iota3A : vector<64x10000xi32> to vector<64x10000xf32>
    %get3A_22 = arith.constant 0 : index
    %get3A_23 = arith.constant 0 : index
    %get3A_24 = vector.load %arg4[%get3A_22, %get3A_23] : memref<1x10000xf32, #tpu.memory_space<vmem>>, vector<1x10000xf32>
    %eq3A = vector.broadcast %get3A_24 : vector<1x10000xf32> to vector<64x10000xf32>
    %eq3A_25 = arith.cmpf oeq, %convert_element_type3A, %eq3A : vector<64x10000xf32>
    %convert_element_type3A_26 = arith.extui %eq3A_25 : vector<64x10000xi1> to vector<64x10000xi32>
    %convert_element_type3A_27 = arith.sitofp %convert_element_type3A_26 : vector<64x10000xi32> to vector<64x10000xf32>
    %dot_general3A = arith.constant dense<0.000000e+00> : vector<64x32xf32>
    %dot_general3A_28 = tpu.matmul %convert_element_type3A_27, %add3A_21, %dot_general3A {dimension_numbers = #tpu.dot_dimension_numbers<[1], [0], [0], [1], [0, 0, 1, 1], [], []>, transpose_lhs_hint = false} : vector<64x10000xf32>, vector<10000x32xf32>, vector<64x32xf32> -> vector<64x32xf32>
    %reduce_sum3A = arith.constant dense<0.000000e+00> : vector<64xf32>
    %reduce_sum3A_29 = vector.multi_reduction <add>, %convert_element_type3A_27, %reduce_sum3A [1] : vector<64x10000xf32> to vector<64xf32>
    %broadcast_in_dim3A = vector.shape_cast %reduce_sum3A_29 : vector<64xf32> to vector<64x1xf32>
    %max3A = arith.constant 1.000000e+00 : f32
    %max3A_30 = vector.broadcast %max3A : f32 to vector<64x1xf32>
    %max3A_31 = arith.maximumf %broadcast_in_dim3A, %max3A_30 : vector<64x1xf32>
    %div3A = vector.broadcast %max3A_31 : vector<64x1xf32> to vector<64x32xf32>
    %div3A_32 = arith.divf %dot_general3A_28, %div3A : vector<64x32xf32>
    %swap3A = arith.constant 0 : index
    %swap3A_33 = arith.constant 0 : index
    %swap3A_34 = vector.load %arg5[%swap3A, %swap3A_33] : memref<64x32xf32, #tpu.memory_space<vmem>>, vector<64x32xf32>
    tpu.vector_store %arg5[%swap3A, %swap3A_33], %div3A_32 {strides = array<i32>} : memref<64x32xf32, #tpu.memory_space<vmem>>, vector<64x32xf32>,
    return
  }
}

</mosaic_0001>

<sc_bundles>
// kernel: kernel.11.cloned.1.call-start
scs
__scs_entry_jumppad:
0x0: {  	(pc) =	sbr.rel $0x88, $3  }
0x1: {  	(tag) =	ssettag $0x0;
	lr =	simm.s32 $0x1  }
0x2: {  	[smem:$0x3F9A] =	sst lr;
	_ =	strace $0xD0000000  }
0x3: {  	_ = 	snop  }
0x4: {  	_ = 	snop  }
0x5: {  	_ = 	snop  }
0x6: {  	_ = 	snop  }
0x7: {  	_ = 	snop  }
__scs_overlays_trampoline_lowered:
0x8: {  	[smem:$0x3FA9] =	sst s0  }
0x9: {  	[smem:$0x3FAA] =	sst s1  }
0xa: {  	[smem:$0x3FAB] =	sst s2  }
0xb: {  	[smem:$0x3FAC] =	sst s3  }
0xc: {  	[smem:$0x3FAD] =	sst s4  }
0xd: {  	[smem:$0x3FAE] =	sst s5  }
0xe: {  	[smem:$0x3FAF] =	sst s6  }
0xf: {  	[smem:$0x3FB0] =	sst s7  }
0x10: {  	[smem:$0x3FB1] =	sst s8  }
0x11: {  	[smem:$0x3FB2] =	sst s9;
	s0 =	simm.s32 @!p0 $0x0  }
0x12: {  	s1 =	sld [smem:$0x3F98];
	s0 =	simm.s32 @p0 $0x1  }
0x13: {  	[smem:$0x3FB3] =	sst s0;
	s0 =	simm.s32 @!p1 $0x0  }
0x14: {  	s2 =	sld [smem:$0x3F97];
	s0 =	simm.s32 @p1 $0x1  }
0x15: {  	[smem:$0x3FB4] =	sst s0;
	s0 =	simm.s32 @!p2 $0x0  }
0x16: {  	s3 =	sld [smem:$0x3FDB];
	s0 =	simm.s32 @p2 $0x1  }
0x17: {  	s4 =	simm.s32 $0x1BF5;
	[smem:$0x3FB6] =	sst s0  }
0x18: {  	s0 =	sld [smem:$0x3F99];
	_ =	swait.ge [sflag:s4], $0x0  }
0x19: {  	s7 =	sld [smem:$0x3F9A]  }
0x1a: {  	s8 =	sadd.s32 $0xFFFFE003, lr  }
0x1b: {  	s9 =	sadd.s32 $0xFFFFFEF7, lr;
	s5 =	simm.s32 $0xFFFFFFFF;
	p2 =	slt.u32 s8, $0xFFFFF086  }
0x1c: {  	p1 =	slt.u32 s9, $0xF7A;
	s5 =	simm.s32 @!p2 $0x0  }
0x1d: {  	s5 =	simm.s32 @p1 $0x1;
	p0 =	seq.s32 s7, s2  }
0x1e: {  	s7 =	smul.u32 @!p0 $0xF7A, s2;
	p2 =	seq.s32 @!p0 s5, $0x0  }
0x1f: {  	s9 =	smul.u32 $0xF7A, s1;
	s8 =	simm.s32 @!p0 $0x1BF5;
	p2 =	por !p2, p0  }
0x20: {  	[sflag:s8] =	ssyncset.s32 @!p0 $0xFFFFF086;
	s6 =	sadd.s32 @!p0 s3, s7;
	s7 =	simm.s32 @!p0 $0x108  }
0x21: {  	s3 =	sadd.s32 s3, s9;
	s6 =	sadd.s32 @!p0 $0x88, s6;
	s7 =	simm.s32 @p2 $0x1082  }
0x22: {  	[simem:s7], [sflag:s8] =	dma.local @!p0 [hbm:s6], $0xF7A  }
0x23: {  	s9 =	sor.u32 $0xD0000000, s2;
	s6 =	simm.s32 $0x108;
	_ =	swait.ge @!p0 [sflag:s8], $0x0  }
0x24: {  	s3 =	sadd.s32 $0x88, s3;
	s6 =	simm.s32 @!p1 $0x1082;
	[sflag:s4] =	ssyncset.s32 $0xFFFFF086  }
0x25: {  	[simem:s6], [sflag:s4] =	dma.local [hbm:s3], $0xF7A  }
0x26: {  	[smem:$0x3F9A] =	sst s1;
	(tag) =	ssettag s2;
	_ =	strace s9  }
0x27: {  	s1 =	sld [smem:$0x3FAA]  }
0x28: {  	s2 =	sld [smem:$0x3FAB]  }
0x29: {  	s4 =	sld [smem:$0x3FAD]  }
0x2a: {  	p0 =	seq.s32 s5, $0x0;
	s5 =	sld [smem:$0x3FAE]  }
0x2b: {  	s6 =	sld [smem:$0x3FAF]  }
0x2c: {  	s7 =	sld [smem:$0x3FB0]  }
0x2d: {  	s3 =	simm.s32 $0x108;
	s8 =	sld [smem:$0x3FB1]  }
0x2e: {  	s3 =	simm.s32 @!p0 $0x1082;
	s9 =	sld [smem:$0x3FB2]  }
0x2f: {  	lr =	sadd.s32 s0, s3;
	s0 =	sld [smem:$0x3FA9]  }
0x30: {  	s3 =	sld [smem:$0x3FAC]  }
0x31: {  	[smem:$0x3FB5] =	sst s10  }
0x32: {  	s10 =	sld [smem:$0x3FB3];
	_ =	sdelay $0x3  }
0x33: {  	p0 =	seq.s32 s10, $0x1;
	s10 =	sld [smem:$0x3FB5];
	_ =	sdelay $0x3  }
0x34: {  	[smem:$0x3FB5] =	sst s10  }
0x35: {  	s10 =	sld [smem:$0x3FB4];
	_ =	sdelay $0x3  }
0x36: {  	p1 =	seq.s32 s10, $0x1;
	s10 =	sld [smem:$0x3FB5];
	_ =	sdelay $0x3  }
0x37: {  	[smem:$0x3FB5] =	sst s10  }
0x38: {  	s10 =	sld [smem:$0x3FB6]  }
0x39: {  	_ = 	snop;
	(pc) =	sbr.ind lr, $3  }
0x3a: {  	_ = 	snop  }
0x3b: {  	_ = 	snop  }
0x3c: {  	p2 =	seq.s32 s10, $0x1;
	s10 =	sld [smem:$0x3FB5]  }
0x3d: {  	_ =	shalt  }
0x3e: {  	_ =	shalt  }
0x3f: {  	_ =	shalt  }
0x40: {  	_ =	shalt  }
0x41: {  	_ =	shalt  }
0x42: {  	_ =	shalt  }
0x43: {  	_ =	shalt  }
0x44: {  	_ =	shalt  }
0x45: {  	_ =	shalt  }
0x46: {  	_ =	shalt  }
0x47: {  	_ =	shalt  }
0x48: {  	_ =	shalt  }
0x49: {  	_ =	shalt  }
0x4a: {  	_ =	shalt  }
0x4b: {  	_ =	shalt  }
0x4c: {  	_ =	shalt  }
0x4d: {  	_ =	shalt  }
0x4e: {  	_ =	shalt  }
0x4f: {  	_ =	shalt  }
0x50: {  	_ =	shalt  }
0x51: {  	_ =	shalt  }
0x52: {  	_ =	shalt  }
0x53: {  	_ =	shalt  }
0x54: {  	_ =	shalt  }
0x55: {  	_ =	shalt  }
0x56: {  	_ =	shalt  }
0x57: {  	_ =	shalt  }
0x58: {  	_ =	shalt  }
0x59: {  	_ =	shalt  }
0x5a: {  	_ =	shalt  }
0x5b: {  	_ =	shalt  }
0x5c: {  	_ =	shalt  }
0x5d: {  	_ =	shalt  }
0x5e: {  	_ =	shalt  }
0x5f: {  	_ =	shalt  }
0x60: {  	_ =	shalt  }
0x61: {  	_ =	shalt  }
0x62: {  	_ =	shalt  }
0x63: {  	_ =	shalt  }
0x64: {  	_ =	shalt  }
0x65: {  	_ =	shalt  }
0x66: {  	_ =	shalt  }
0x67: {  	_ =	shalt  }
0x68: {  	_ =	shalt  }
0x69: {  	_ =	shalt  }
0x6a: {  	_ =	shalt  }
0x6b: {  	_ =	shalt  }
0x6c: {  	_ =	shalt  }
0x6d: {  	_ =	shalt  }
0x6e: {  	_ =	shalt  }
0x6f: {  	_ =	shalt  }
0x70: {  	_ =	shalt  }
0x71: {  	_ =	shalt  }
0x72: {  	_ =	shalt  }
0x73: {  	_ =	shalt  }
0x74: {  	_ =	shalt  }
0x75: {  	_ =	shalt  }
0x76: {  	_ =	shalt  }
0x77: {  	_ =	shalt  }
0x78: {  	_ =	shalt  }
0x79: {  	_ =	shalt  }
0x7a: {  	_ =	shalt  }
0x7b: {  	_ =	shalt  }
0x7c: {  	_ =	shalt  }
0x7d: {  	_ =	shalt  }
0x7e: {  	_ =	shalt  }
0x7f: {  	_ =	shalt  }
0x80: {  	_ =	shalt  }
0x81: {  	_ =	shalt  }
0x82: {  	_ =	shalt  }
0x83: {  	_ =	shalt  }
0x84: {  	_ =	shalt  }
0x85: {  	_ =	shalt  }
0x86: {  	_ =	shalt  }
0x87: {  	_ =	shalt  }
.Lfunc_end0:
.L_simem_size_0:
called_computation.1_lowered:
.L_overlay_start_0:
0x88: {  	s2 =	sld [smem:$0x3FD9]  }
0x89: {  	s3 =	sld [smem:$0x3FFE];
	_ =	sdelay $0x1  }
0x8a: {  	s1 =	srdreg.scid  }
0x8b: {  	s0 =	sand.u32 $0x1, s1  }
0x8c: {  	s16 =	sshll.u32 s0, $0xA;
	s2 =	sadd.s32 s3, s2  }
0x8d: {  	s2 =	sadd.s32 s2, s16  }
0x8e: {  	[smem:$0x3FC1] =	sst s2  }
0x8f: {  	_ = 	snop  }
0x90: {  	(tm) =	ssettm $0x1  }
0x91: {  	s17 =	sld [smem:$0x3FFB];
	_ =	sdelay $0x3  }
0x92: {  	_ =	strace s17  }
0x93: {  	s2 =	sld [smem:$0x3FFC];
	_ =	sdelay $0x3  }
0x94: {  	_ =	strace s2  }
0x95: {  	s2 =	sld [smem:$0x3FFD];
	_ =	sdelay $0x3  }
0x96: {  	_ =	strace s2  }
0x97: {  	_ =	strace $0x8FFFFFFF  }
0x98: {  	s18 =	sld [smem:$0x3FDB];
	_ =	sdelay $0x1  }
0x99: {  	s19 =	simm.s32 $_scs_section_size  }
0x9a: {  	s4 =	simm.s32 $_size__tile_overlayer_lowered;
	s5 =	simm.s32 $_tile_overlayer_lowered  }
0x9b: {  	s22 =	simm.s32 $0x1BFF;
	s21 =	sshll.u32 s5, $0x1;
	s2 =	sadd.s32 s19, s18  }
0x9c: {  	s6 =	simm.s32 $0x0;
	s20 =	sshll.u32 s4, $0x1;
	s4 =	sadd.s32 s21, s2  }
0x9d: {  	[timem:s6], [sflag:s22] =	dma.local [hbm:s4], s20  }
0x9e: {  	_ =	swait.ge [sflag:s22], s20  }
0x9f: {  	s3 =	ssub.s32 $0x0, s20;
	[sflag:s22] =	ssyncset.done $0x0  }
0xa0: {  	[sflag:s22] =	ssyncadd.s32 s3;
	_ =	sdelay $0x1  }
0xa1: {  	s23 =	simm.s32 $0x1B8B  }
0xa2: {  	_ =	swait.ge [sflag:s23], $0x1  }
0xa3: {  	[sflag:s23] =	ssyncset.done $0x0  }
0xa4: {  	s25 =	simm.s32 $0x1B8E;
	s24 =	sld [smem:$0x3FFE];
	[sflag:s23] =	ssyncadd.s32 $0xFFFFFFFF  }
0xa5: {  	s26 =	simm.s32 $execute0_lowered;
	[smem:$0x3FD2] =	sst s25  }
0xa6: {  	s4 =	sshll.u32 s26, $0x1;
	_ =	strace $0x80000049;
	[dreg:$0x1] =	wrdreg $0xFFFFFFFF  }
0xa7: {  	s28 =	simm.s32 $_size_execute0_lowered;
	s2 =	sadd.s32 s2, s4;
	[dreg:$0x0] =	wrdreg $0x0  }
0xa8: {  	s4 =	sshll.u32 s28, $0x1;
	[dreg:$0x2] =	wrdreg s2  }
0xa9: {  	[dreg:$0x3] =	wrdreg s4  }
0xaa: {  	[dreg:$0x4] =	wrdreg $0xC0  }
0xab: {  	_ =	task [dreg:s6], $0x5FFFF  }
0xac: {  	[dreg:$0x1] =	wrdreg $0xFFFFFFFF  }
0xad: {  	[dreg:$0x0] =	wrdreg $0x60  }
0xae: {  	[dreg:$0x2] =	wrdreg s24  }
0xaf: {  	[dreg:$0x3] =	wrdreg $0x90000  }
0xb0: {  	[dreg:$0x4] =	wrdreg $0x130000  }
0xb1: {  	[dreg:$0x5] =	wrdreg $0x9  }
0xb2: {  	_ =	task.clear_ibuf [dreg:s6], $0x6FFFF;
	_ =	strace $0x90000049  }
0xb3: {  	s29 =	simm.s32 $0x9;
	_ =	strace $0x8000004B  }
0xb4: {  	_ =	swait.ge [sflag:s29], $0x1  }
0xb5: {  	[sflag:s29] =	ssyncadd.s32 $0xFFFFFFFF  }
0xb6: {  	_ =	strace $0x9000004B  }
0xb7: {  	_ =	sfence  }
0xb8: {  	s30 =	sld [smem:$0x0];
	_ =	sdelay $0x2  }
0xb9: {  	s31 =	sshll.u32 s1, $0xD;
	s1 =	sshrl.u32 s1, $0x2  }
0xba: {  	s3 =	sand.u32 $0x4000, s31;
	s1 =	sadd.s32 s1, s30  }
0xbb: {  	s0 =	sor.u32 s3, s0;
	s1 =	sshll.u32 s1, $0x11  }
0xbc: {  	s0 =	sor.u32 s1, s0  }
0xbd: {  	s0 =	sadd.s32 $0x8F2B, s0  }
0xbe: {  	[sflag:s0] =	ssyncadd.remote.s32 $0x1  }
0xbf: {  	_ =	sfence.sel $0xFFFF  }
0xc0: {  	[dreg:$0x0] =	wrdreg $0xFFFFFFFF;
	(pc) =	sbr.abs _section_cstart, $3  }
0xc1: {  	[dreg:$0x1] =	wrdreg $0xFFFFFFFF  }
0xc2: {  	_ =	task.clear_ibuf [dreg:s6], $0x2FFFF;
	_ =	strace $0x9FFFFFFF  }
0xc3: {  	(tm) =	ssettm $0x7FFFFFFF  }
tec
execute0_lowered:
.L_overlay_start_1:
0x0: {  	(tag) =	ssettag $0x1  }
0x1: {  	s6 =	rddreg [dreg:$0x0]  }
0x2: {  	s0 =	stileid.u32;
	s2 =	rddreg [dreg:$0x1]  }
0x3: {  	s1 =	srdreg.scid;
	s3 =	rddreg [dreg:$0x2]  }
0x4: {  	s4 =	simm.s32 $0x0;
	s16 =	simm.s32 $0x80;
	s17 =	simm.s32 $0x5000  }
0x5: {  	s18 =	simm.s32 $0x7000;
	s19 =	simm.s32 $0x3;
	s20 =	simm.s32 $0x2  }
0x6: {  	s21 =	simm.s32 $0x4F00;
	s22 =	simm.s32 $0x4F80;
	s24 =	simm.s32 $0x0  }
0x7: {  	s5 =	sand.u32 $0x1, s1;
	s29 =	sshll.u32 s0, $0x1;
	s1 =	rddreg [dreg:$0x3]  }
0x8: {  	s9 =	smul.u32 $0xA000, s0;
	[smem:$0x7FF] =	sst s4;
	s23 =	sshll.u32 s0, $0x6  }
0x9: {  	s7 =	sor.u32 s5, s29;
	s10 =	smul.u32 $0xA0000, s5;
	_ =	strace $0x8000004A  }
0xa: {  	s31 =	ssub.s32 $0x2, s5;
	s5 =	sadd.s32 $0xB800, s6;
	s7 =	smul.u32 $0x500, s7  }
0xb: {  	s8 =	sshrl.u32 s9, $0x3;
	s12 =	sshrl.u32 s31, $0x1;
	s14 =	sadd.s32 s9, s2  }
0xc: {  	s15 =	sadd.s32 s9, s3;
	s11 =	sadd.s32 s8, s6;
	s30 =	sadd.s32 s9, s10  }
0xd: {  	s12 =	ssub.s32 s31, s12;
	s7 =	sadd.s32 s7, s6;
	s8 =	sshrl.u32 s30, $0x3  }
0xe: {  	s9 =	sadd.s32 $0x1FE00, s11;
	s11 =	smax.u32 s12, $0x1;
	s12 =	simm.s32 $0x2800  }
0xf: {  	s13 =	sadd.s32 s8, s6;
	s6 =	sadd.s32 $0x15E00, s7;
	s7 =	sadd.s32 $0x1800, s7  }
0x10: {  	s8 =	sor.u32 $0x1C01, s23;
	s23 =	sor.u32 $0x1C03, s23;
	s10 =	sadd.s32 $0x33E00, s13  }
0x11: {  	s13 =	sshrl.u32 s14, $0x3;
	s14 =	sshrl.u32 s15, $0x3;
	s15 =	simm.s32 $0x1  }
.LBB2_1:
0x12: {  	[tilespmem:s4], [sflag:$0x1] =	stream.linear.gather [hbm4b:s6+s4], $0x2800, $0x38;
	[tilespmem:$0x1D000] =	vst v63  }
0x13: {  	_ = 	snop  }
0x14: {  	[tilespmem:s12], [sflag:$0x1] =	stream.linear.gather [hbm4b:s7+s4], $0x2800, $0x38;
	[tilespmem:$0x1D000] =	vst v63  }
0x15: {  	[spmem:s13], [sflag:s8] =	dma.local [hbm:s5], $0x1400  }
0x16: {  	[spmem:s14], [sflag:s8] =	dma.local [hbm:s9], $0x1400  }
0x17: {  	_ =	swait.ge [sflag:s15], $0x2800  }
0x18: {  	[sflag:s15] =	ssyncset.done $0x0  }
0x19: {  	[sflag:s15] =	ssyncadd.s32 $0xFFFFD800  }
0x1a: {  	_ =	swait.ge [sflag:s15], $0x2800  }
0x1b: {  	[sflag:s15] =	ssyncset.done $0x0  }
0x1c: {  	[sflag:s15] =	ssyncadd.s32 $0xFFFFD800  }
0x1d: {  	_ =	swait.ge [sflag:s15], $0x1400  }
0x1e: {  	[sflag:s15] =	ssyncset.done $0x0  }
0x1f: {  	[sflag:s15] =	ssyncadd.s32 $0xFFFFEC00  }
0x20: {  	_ =	swait.ge [sflag:s15], $0x1400  }
0x21: {  	[sflag:s15] =	ssyncset.done $0x0  }
0x22: {  	[sflag:s15] =	ssyncadd.s32 $0xFFFFEC00  }
0x23: {  	[bflag:$0x0] =	sbarrier.arrive $0xFFFF  }
0x24: {  	[tilespmem:s17], [sflag:$0x1] =	stream.indirect.gather [spmem:s3], $0x40, s4, s16, $0xb8;
	[tilespmem:$0x1D000] =	vst v63  }
0x25: {  	_ = 	snop  }
0x26: {  	[tilespmem:s18], [sflag:$0x2] =	stream.indirect.gather [spmem:s3], $0x40, s16, s16, $0xb8;
	[tilespmem:$0x1D000] =	vst v63  }
0x27: {  	_ =	swait.ge [sflag:s15], $0x2000  }
0x28: {  	[sflag:s15] =	ssyncset.done $0x0  }
0x29: {  	s25 =	simm.s32 $0x2800;
	[sflag:s15] =	ssyncadd.s32 $0xFFFFE000  }
0x2a: {  	[spmem:s2] =	stream.indirect.scatter.add.f32 [tilespmem:s17], [sflag:$0x3], $0x40, s25, s16, $0xb8;
	[tilespmem:$0x1D000] =	vst v63  }
0x2b: {  	_ =	swait.ge [sflag:s19], $0x2000  }
0x2c: {  	[sflag:s19] =	ssyncset.done $0x0  }
0x2d: {  	s30 =	simm.s32 $0x100;
	[sflag:s19] =	ssyncadd.s32 $0xFFFFE000  }
0x2e: {  	[tilespmem:s17], [sflag:$0x1] =	stream.indirect.gather [spmem:s3], $0x40, s30, s16, $0xb8;
	[tilespmem:$0x1D000] =	vst v63  }
0x2f: {  	_ =	swait.ge [sflag:s20], $0x2000  }
0x30: {  	[sflag:s20] =	ssyncset.done $0x0  }
0x31: {  	s31 =	simm.s32 $0x2880;
	[sflag:s20] =	ssyncadd.s32 $0xFFFFE000  }
0x32: {  	[spmem:s2] =	stream.indirect.scatter.add.f32 [tilespmem:s18], [sflag:$0x3], $0x40, s31, s16, $0xb8;
	[tilespmem:$0x1D000] =	vst v63  }
0x33: {  	_ =	swait.ge [sflag:s19], $0x2000  }
0x34: {  	[sflag:s19] =	ssyncset.done $0x0  }
0x35: {  	s26 =	simm.s32 $0x180;
	s25 =	simm.s32 $0x400;
	[sflag:s19] =	ssyncadd.s32 $0xFFFFE000  }
.LBB2_2:
0x36: {  	[tilespmem:s18], [sflag:$0x2] =	stream.indirect.gather [spmem:s3], $0x40, s26, s16, $0xb8;
	[tilespmem:$0x1D000] =	vst v63  }
0x37: {  	s26 =	smov.u32 s25  }
0x38: {  	p0 =	sne.s32 s25, $0x9800;
	s25 =	sadd.s32 $0x400, s25;
	_ =	swait.ge [sflag:s15], $0x2000  }
0x39: {  	s26 =	sshra.s32 s26, $0x2;
	[sflag:s15] =	ssyncset.done $0x0  }
0x3a: {  	s28 =	sadd.s32 $0x2800, s26;
	[sflag:s15] =	ssyncadd.s32 $0xFFFFE000  }
0x3b: {  	[spmem:s2] =	stream.indirect.scatter.add.f32 [tilespmem:s17], [sflag:$0x3], $0x40, s28, s16, $0xb8;
	[tilespmem:$0x1D000] =	vst v63  }
0x3c: {  	_ =	swait.ge [sflag:s19], $0x2000  }
0x3d: {  	[sflag:s19] =	ssyncset.done $0x0  }
0x3e: {  	s28 =	sadd.s32 $0x100, s26;
	[sflag:s19] =	ssyncadd.s32 $0xFFFFE000  }
0x3f: {  	[tilespmem:s17], [sflag:$0x1] =	stream.indirect.gather [spmem:s3], $0x40, s28, s16, $0xb8;
	[tilespmem:$0x1D000] =	vst v63  }
0x40: {  	_ =	swait.ge [sflag:s20], $0x2000  }
0x41: {  	[sflag:s20] =	ssyncset.done $0x0  }
.Ltmp0:
0x42: {  	s28 =	sadd.s32 $0x2880, s26;
	[sflag:s20] =	ssyncadd.s32 $0xFFFFE000;
	(pc) =	sbr.rel @p0 .LBB2_2-.Ltmp0, $4  }
0x43: {  	[spmem:s2] =	stream.indirect.scatter.add.f32 [tilespmem:s18], [sflag:$0x3], $0x40, s28, s16, $0xb8;
	[tilespmem:$0x1D000] =	vst v63  }
0x44: {  	_ =	swait.ge [sflag:s19], $0x2000  }
0x45: {  	[sflag:s19] =	ssyncset.done $0x0  }
0x46: {  	s26 =	sadd.s32 $0x180, s26;
	[sflag:s19] =	ssyncadd.s32 $0xFFFFE000  }
0x47: {  	[tilespmem:s18], [sflag:$0x2] =	stream.indirect.gather [spmem:s3], $0x40, s26, s16, $0xb8;
	[tilespmem:$0x1D000] =	vst v63  }
0x48: {  	_ =	swait.ge [sflag:s15], $0x2000  }
0x49: {  	[sflag:s15] =	ssyncset.done $0x0  }
0x4a: {  	[sflag:s15] =	ssyncadd.s32 $0xFFFFE000  }
0x4b: {  	[spmem:s2] =	stream.indirect.scatter.add.f32 [tilespmem:s17], [sflag:$0x3], $0x40, s21, s16, $0xb8;
	[tilespmem:$0x1D000] =	vst v63  }
0x4c: {  	_ =	swait.ge [sflag:s19], $0x2000  }
0x4d: {  	[sflag:s19] =	ssyncset.done $0x0  }
0x4e: {  	[sflag:s19] =	ssyncadd.s32 $0xFFFFE000  }
0x4f: {  	_ =	swait.ge [sflag:s20], $0x2000  }
0x50: {  	[sflag:s20] =	ssyncset.done $0x0  }
0x51: {  	[sflag:s20] =	ssyncadd.s32 $0xFFFFE000  }
0x52: {  	[spmem:s2] =	stream.indirect.scatter.add.f32 [tilespmem:s18], [sflag:$0x3], $0x40, s22, s16, $0xb8;
	[tilespmem:$0x1D000] =	vst v63  }
0x53: {  	_ =	swait.ge [sflag:s19], $0x2000  }
0x54: {  	s24 =	sadd.s32 $0x1, s24;
	[sflag:s19] =	ssyncset.done $0x0  }
0x55: {  	p0 =	sne.s32 s24, s11;
	[sflag:s19] =	ssyncadd.s32 $0xFFFFE000  }
.Ltmp1:
0x56: {  	[bflag:$0x0] =	sbarrier.arrive $0xFFFF;
	(pc) =	sbr.rel @p0 .LBB2_1-.Ltmp1, $4  }
0x57: {  	[hbm:s10], [sflag:s23] =	dma.local [spmem:s13], $0x1400  }
0x58: {  	_ =	swait.ge [sflag:s19], $0x1400  }
0x59: {  	[sflag:s19] =	ssyncset.done $0x0  }
0x5a: {  	[sflag:s19] =	ssyncadd.s32 $0xFFFFEC00  }
0x5b: {  	_ =	sfence.sel $0x180000  }
0x5c: {  	[bflag:$0x0] =	sbarrier.arrive $0xFFFF  }
0x5d: {  	p0 =	sne.s32 s0, $0x0;
	_ =	strace $0x9000004A  }
0x5e: {  	s0 =	sadd.s32 @!p0 $0x100000, s1;
	[bflag:$0x2] =	sbarrier.arrive $0xFFFF  }
0x5f: {  	[sflag:s0] =	ssyncadd.tile.s32 @!p0 $0x1;
	_ =	shalt  }
.Lfunc_end2:
_tile_overlayer_lowered:
.L_overlay_start_2:
0x60: {  	(tag) =	ssettag $0x2  }
0x61: {  	s0 =	rddreg [dreg:$0x0];
	s2 =	stileid.u32  }
0x62: {  	s1 =	rddreg [dreg:$0x1];
	p0 =	sne.s32 s2, $0x0  }
0x63: {  	s3 =	rddreg [dreg:$0x2];
	[bflag:$0x3] =	sbarrier.arrive $0xFFFF;
	s2 =	simm.s32 @!p0 $0x1C03  }
0x64: {  	[timem:s3], [sflag:s2] =	dma.local @!p0 [hbm:s0], s1  }
0x65: {  	s0 =	simm.s32 @!p0 $0x3  }
0x66: {  	_ =	swait.ge @!p0 [sflag:s0], s1  }
0x67: {  	s1 =	ssub.s32 @!p0 $0x0, s1;
	[sflag:s0] =	ssyncset.done @!p0 $0x0  }
0x68: {  	[sflag:s0] =	ssyncadd.s32 @!p0 s1  }
0x69: {  	[bflag:$0x3] =	sbarrier.arrive $0xFFFF  }
0x6a: {  	_ =	shalt  }

// kernel: kernel.14.cloned.1.call-start
scs
__scs_entry_jumppad:
0x0: {  	(pc) =	sbr.rel $0x88, $3  }
0x1: {  	(tag) =	ssettag $0x0;
	lr =	simm.s32 $0x1  }
0x2: {  	[smem:$0x3F9A] =	sst lr;
	_ =	strace $0xD0000000  }
0x3: {  	_ = 	snop  }
0x4: {  	_ = 	snop  }
0x5: {  	_ = 	snop  }
0x6: {  	_ = 	snop  }
0x7: {  	_ = 	snop  }
__scs_overlays_trampoline_lowered:
0x8: {  	[smem:$0x3FA9] =	sst s0  }
0x9: {  	[smem:$0x3FAA] =	sst s1  }
0xa: {  	[smem:$0x3FAB] =	sst s2  }
0xb: {  	[smem:$0x3FAC] =	sst s3  }
0xc: {  	[smem:$0x3FAD] =	sst s4  }
0xd: {  	[smem:$0x3FAE] =	sst s5  }
0xe: {  	[smem:$0x3FAF] =	sst s6  }
0xf: {  	[smem:$0x3FB0] =	sst s7  }
0x10: {  	[smem:$0x3FB1] =	sst s8  }
0x11: {  	[smem:$0x3FB2] =	sst s9;
	s0 =	simm.s32 @!p0 $0x0  }
0x12: {  	s1 =	sld [smem:$0x3F98];
	s0 =	simm.s32 @p0 $0x1  }
0x13: {  	[smem:$0x3FB3] =	sst s0;
	s0 =	simm.s32 @!p1 $0x0  }
0x14: {  	s2 =	sld [smem:$0x3F97];
	s0 =	simm.s32 @p1 $0x1  }
0x15: {  	[smem:$0x3FB4] =	sst s0;
	s0 =	simm.s32 @!p2 $0x0  }
0x16: {  	s3 =	sld [smem:$0x3FDB];
	s0 =	simm.s32 @p2 $0x1  }
0x17: {  	s4 =	simm.s32 $0x1BF5;
	[smem:$0x3FB6] =	sst s0  }
0x18: {  	s0 =	sld [smem:$0x3F99];
	_ =	swait.ge [sflag:s4], $0x0  }
0x19: {  	s7 =	sld [smem:$0x3F9A]  }
0x1a: {  	s8 =	sadd.s32 $0xFFFFE003, lr  }
0x1b: {  	s9 =	sadd.s32 $0xFFFFFEF7, lr;
	s5 =	simm.s32 $0xFFFFFFFF;
	p2 =	slt.u32 s8, $0xFFFFF086  }
0x1c: {  	p1 =	slt.u32 s9, $0xF7A;
	s5 =	simm.s32 @!p2 $0x0  }
0x1d: {  	s5 =	simm.s32 @p1 $0x1;
	p0 =	seq.s32 s7, s2  }
0x1e: {  	s7 =	smul.u32 @!p0 $0xF7A, s2;
	p2 =	seq.s32 @!p0 s5, $0x0  }
0x1f: {  	s9 =	smul.u32 $0xF7A, s1;
	s8 =	simm.s32 @!p0 $0x1BF5;
	p2 =	por !p2, p0  }
0x20: {  	[sflag:s8] =	ssyncset.s32 @!p0 $0xFFFFF086;
	s6 =	sadd.s32 @!p0 s3, s7;
	s7 =	simm.s32 @!p0 $0x108  }
0x21: {  	s3 =	sadd.s32 s3, s9;
	s6 =	sadd.s32 @!p0 $0x88, s6;
	s7 =	simm.s32 @p2 $0x1082  }
0x22: {  	[simem:s7], [sflag:s8] =	dma.local @!p0 [hbm:s6], $0xF7A  }
0x23: {  	s9 =	sor.u32 $0xD0000000, s2;
	s6 =	simm.s32 $0x108;
	_ =	swait.ge @!p0 [sflag:s8], $0x0  }
0x24: {  	s3 =	sadd.s32 $0x88, s3;
	s6 =	simm.s32 @!p1 $0x1082;
	[sflag:s4] =	ssyncset.s32 $0xFFFFF086  }
0x25: {  	[simem:s6], [sflag:s4] =	dma.local [hbm:s3], $0xF7A  }
0x26: {  	[smem:$0x3F9A] =	sst s1;
	(tag) =	ssettag s2;
	_ =	strace s9  }
0x27: {  	s1 =	sld [smem:$0x3FAA]  }
0x28: {  	s2 =	sld [smem:$0x3FAB]  }
0x29: {  	s4 =	sld [smem:$0x3FAD]  }
0x2a: {  	p0 =	seq.s32 s5, $0x0;
	s5 =	sld [smem:$0x3FAE]  }
0x2b: {  	s6 =	sld [smem:$0x3FAF]  }
0x2c: {  	s7 =	sld [smem:$0x3FB0]  }
0x2d: {  	s3 =	simm.s32 $0x108;
	s8 =	sld [smem:$0x3FB1]  }
0x2e: {  	s3 =	simm.s32 @!p0 $0x1082;
	s9 =	sld [smem:$0x3FB2]  }
0x2f: {  	lr =	sadd.s32 s0, s3;
	s0 =	sld [smem:$0x3FA9]  }
0x30: {  	s3 =	sld [smem:$0x3FAC]  }
0x31: {  	[smem:$0x3FB5] =	sst s10  }
0x32: {  	s10 =	sld [smem:$0x3FB3];
	_ =	sdelay $0x3  }
0x33: {  	p0 =	seq.s32 s10, $0x1;
	s10 =	sld [smem:$0x3FB5];
	_ =	sdelay $0x3  }
0x34: {  	[smem:$0x3FB5] =	sst s10  }
0x35: {  	s10 =	sld [smem:$0x3FB4];
	_ =	sdelay $0x3  }
0x36: {  	p1 =	seq.s32 s10, $0x1;
	s10 =	sld [smem:$0x3FB5];
	_ =	sdelay $0x3  }
0x37: {  	[smem:$0x3FB5] =	sst s10  }
0x38: {  	s10 =	sld [smem:$0x3FB6]  }
0x39: {  	_ = 	snop;
	(pc) =	sbr.ind lr, $3  }
0x3a: {  	_ = 	snop  }
0x3b: {  	_ = 	snop  }
0x3c: {  	p2 =	seq.s32 s10, $0x1;
	s10 =	sld [smem:$0x3FB5]  }
0x3d: {  	_ =	shalt  }
0x3e: {  	_ =	shalt  }
0x3f: {  	_ =	shalt  }
0x40: {  	_ =	shalt  }
0x41: {  	_ =	shalt  }
0x42: {  	_ =	shalt  }
0x43: {  	_ =	shalt  }
0x44: {  	_ =	shalt  }
0x45: {  	_ =	shalt  }
0x46: {  	_ =	shalt  }
0x47: {  	_ =	shalt  }
0x48: {  	_ =	shalt  }
0x49: {  	_ =	shalt  }
0x4a: {  	_ =	shalt  }
0x4b: {  	_ =	shalt  }
0x4c: {  	_ =	shalt  }
0x4d: {  	_ =	shalt  }
0x4e: {  	_ =	shalt  }
0x4f: {  	_ =	shalt  }
0x50: {  	_ =	shalt  }
0x51: {  	_ =	shalt  }
0x52: {  	_ =	shalt  }
0x53: {  	_ =	shalt  }
0x54: {  	_ =	shalt  }
0x55: {  	_ =	shalt  }
0x56: {  	_ =	shalt  }
0x57: {  	_ =	shalt  }
0x58: {  	_ =	shalt  }
0x59: {  	_ =	shalt  }
0x5a: {  	_ =	shalt  }
0x5b: {  	_ =	shalt  }
0x5c: {  	_ =	shalt  }
0x5d: {  	_ =	shalt  }
0x5e: {  	_ =	shalt  }
0x5f: {  	_ =	shalt  }
0x60: {  	_ =	shalt  }
0x61: {  	_ =	shalt  }
0x62: {  	_ =	shalt  }
0x63: {  	_ =	shalt  }
0x64: {  	_ =	shalt  }
0x65: {  	_ =	shalt  }
0x66: {  	_ =	shalt  }
0x67: {  	_ =	shalt  }
0x68: {  	_ =	shalt  }
0x69: {  	_ =	shalt  }
0x6a: {  	_ =	shalt  }
0x6b: {  	_ =	shalt  }
0x6c: {  	_ =	shalt  }
0x6d: {  	_ =	shalt  }
0x6e: {  	_ =	shalt  }
0x6f: {  	_ =	shalt  }
0x70: {  	_ =	shalt  }
0x71: {  	_ =	shalt  }
0x72: {  	_ =	shalt  }
0x73: {  	_ =	shalt  }
0x74: {  	_ =	shalt  }
0x75: {  	_ =	shalt  }
0x76: {  	_ =	shalt  }
0x77: {  	_ =	shalt  }
0x78: {  	_ =	shalt  }
0x79: {  	_ =	shalt  }
0x7a: {  	_ =	shalt  }
0x7b: {  	_ =	shalt  }
0x7c: {  	_ =	shalt  }
0x7d: {  	_ =	shalt  }
0x7e: {  	_ =	shalt  }
0x7f: {  	_ =	shalt  }
0x80: {  	_ =	shalt  }
0x81: {  	_ =	shalt  }
0x82: {  	_ =	shalt  }
0x83: {  	_ =	shalt  }
0x84: {  	_ =	shalt  }
0x85: {  	_ =	shalt  }
0x86: {  	_ =	shalt  }
0x87: {  	_ =	shalt  }
.Lfunc_end0:
.L_simem_size_0:
called_computation.2_lowered:
.L_overlay_start_0:
0x88: {  	s2 =	sld [smem:$0x3FD9]  }
0x89: {  	s3 =	sld [smem:$0x3FFE];
	_ =	sdelay $0x1  }
0x8a: {  	s1 =	srdreg.scid  }
0x8b: {  	s0 =	sand.u32 $0x1, s1  }
0x8c: {  	s16 =	sshll.u32 s0, $0xA;
	s2 =	sadd.s32 s3, s2  }
0x8d: {  	s2 =	sadd.s32 s2, s16  }
0x8e: {  	[smem:$0x3FC1] =	sst s2  }
0x8f: {  	_ = 	snop  }
0x90: {  	(tm) =	ssettm $0x1  }
0x91: {  	s17 =	sld [smem:$0x3FFB];
	_ =	sdelay $0x3  }
0x92: {  	_ =	strace s17  }
0x93: {  	s2 =	sld [smem:$0x3FFC];
	_ =	sdelay $0x3  }
0x94: {  	_ =	strace s2  }
0x95: {  	s2 =	sld [smem:$0x3FFD];
	_ =	sdelay $0x3  }
0x96: {  	_ =	strace s2  }
0x97: {  	_ =	strace $0x8FFFFFFF  }
0x98: {  	s18 =	sld [smem:$0x3FDB];
	_ =	sdelay $0x1  }
0x99: {  	s19 =	simm.s32 $_scs_section_size  }
0x9a: {  	s4 =	simm.s32 $_size__tile_overlayer_lowered;
	s5 =	simm.s32 $_tile_overlayer_lowered  }
0x9b: {  	s22 =	simm.s32 $0x1BFF;
	s21 =	sshll.u32 s5, $0x1;
	s2 =	sadd.s32 s19, s18  }
0x9c: {  	s6 =	simm.s32 $0x0;
	s20 =	sshll.u32 s4, $0x1;
	s4 =	sadd.s32 s21, s2  }
0x9d: {  	[timem:s6], [sflag:s22] =	dma.local [hbm:s4], s20  }
0x9e: {  	_ =	swait.ge [sflag:s22], s20  }
0x9f: {  	s3 =	ssub.s32 $0x0, s20;
	[sflag:s22] =	ssyncset.done $0x0  }
0xa0: {  	[sflag:s22] =	ssyncadd.s32 s3;
	_ =	sdelay $0x1  }
0xa1: {  	s23 =	simm.s32 $0x1B8B  }
0xa2: {  	_ =	swait.ge [sflag:s23], $0x1  }
0xa3: {  	[sflag:s23] =	ssyncset.done $0x0  }
0xa4: {  	s25 =	simm.s32 $0x1B8E;
	s24 =	sld [smem:$0x3FFE];
	[sflag:s23] =	ssyncadd.s32 $0xFFFFFFFF  }
0xa5: {  	s26 =	simm.s32 $execute0_lowered;
	[smem:$0x3FD2] =	sst s25  }
0xa6: {  	s4 =	sshll.u32 s26, $0x1;
	_ =	strace $0x8000004C;
	[dreg:$0x1] =	wrdreg $0xFFFFFFFF  }
0xa7: {  	s28 =	simm.s32 $_size_execute0_lowered;
	s2 =	sadd.s32 s2, s4;
	[dreg:$0x0] =	wrdreg $0x0  }
0xa8: {  	s4 =	sshll.u32 s28, $0x1;
	[dreg:$0x2] =	wrdreg s2  }
0xa9: {  	[dreg:$0x3] =	wrdreg s4  }
0xaa: {  	[dreg:$0x4] =	wrdreg $0xC0  }
0xab: {  	_ =	task [dreg:s6], $0x5FFFF  }
0xac: {  	[dreg:$0x1] =	wrdreg $0xFFFFFFFF  }
0xad: {  	[dreg:$0x0] =	wrdreg $0x60  }
0xae: {  	[dreg:$0x2] =	wrdreg s24  }
0xaf: {  	[dreg:$0x3] =	wrdreg $0x70000  }
0xb0: {  	[dreg:$0x4] =	wrdreg $0xC0000  }
0xb1: {  	[dreg:$0x5] =	wrdreg $0x9  }
0xb2: {  	_ =	task.clear_ibuf [dreg:s6], $0x6FFFF;
	_ =	strace $0x9000004C  }
0xb3: {  	s29 =	simm.s32 $0x9;
	_ =	strace $0x8000004E  }
0xb4: {  	_ =	swait.ge [sflag:s29], $0x1  }
0xb5: {  	[sflag:s29] =	ssyncadd.s32 $0xFFFFFFFF  }
0xb6: {  	_ =	strace $0x9000004E  }
0xb7: {  	_ =	sfence  }
0xb8: {  	s30 =	sld [smem:$0x0];
	_ =	sdelay $0x2  }
0xb9: {  	s31 =	sshll.u32 s1, $0xD;
	s1 =	sshrl.u32 s1, $0x2  }
0xba: {  	s3 =	sand.u32 $0x4000, s31;
	s1 =	sadd.s32 s1, s30  }
0xbb: {  	s0 =	sor.u32 s3, s0;
	s1 =	sshll.u32 s1, $0x11  }
0xbc: {  	s0 =	sor.u32 s1, s0  }
0xbd: {  	s0 =	sadd.s32 $0x8F2B, s0  }
0xbe: {  	[sflag:s0] =	ssyncadd.remote.s32 $0x1  }
0xbf: {  	_ =	sfence.sel $0xFFFF  }
0xc0: {  	[dreg:$0x0] =	wrdreg $0xFFFFFFFF;
	(pc) =	sbr.abs _section_cstart, $3  }
0xc1: {  	[dreg:$0x1] =	wrdreg $0xFFFFFFFF  }
0xc2: {  	_ =	task.clear_ibuf [dreg:s6], $0x2FFFF;
	_ =	strace $0x9FFFFFFF  }
0xc3: {  	(tm) =	ssettm $0x7FFFFFFF  }
tec
execute0_lowered:
.L_overlay_start_1:
0x0: {  	(tag) =	ssettag $0x1  }
0x1: {  	s6 =	rddreg [dreg:$0x0]  }
0x2: {  	s0 =	stileid.u32;
	s2 =	rddreg [dreg:$0x1]  }
0x3: {  	s1 =	srdreg.scid;
	s3 =	rddreg [dreg:$0x2]  }
0x4: {  	s4 =	simm.s32 $0x0;
	s16 =	simm.s32 $0x80;
	s17 =	simm.s32 $0x5000  }
0x5: {  	s18 =	simm.s32 $0x6000;
	s19 =	simm.s32 $0x3;
	s20 =	simm.s32 $0x2  }
0x6: {  	s21 =	simm.s32 $0x4F00;
	s22 =	simm.s32 $0x4F80;
	s24 =	simm.s32 $0x0  }
0x7: {  	s5 =	sand.u32 $0x1, s1;
	s29 =	sshll.u32 s0, $0x1;
	s1 =	rddreg [dreg:$0x3]  }
0x8: {  	s9 =	smul.u32 $0x5000, s0;
	[smem:$0x7FF] =	sst s4;
	s23 =	sshll.u32 s0, $0x6  }
0x9: {  	s7 =	sor.u32 s5, s29;
	s10 =	smul.u32 $0x50000, s5;
	_ =	strace $0x8000004D  }
0xa: {  	s31 =	ssub.s32 $0x2, s5;
	s5 =	sadd.s32 $0x1FE00, s6;
	s7 =	smul.u32 $0x500, s7  }
0xb: {  	s8 =	sshrl.u32 s9, $0x3;
	s12 =	sshrl.u32 s31, $0x1;
	s14 =	sadd.s32 s9, s2  }
0xc: {  	s15 =	sadd.s32 s9, s3;
	s11 =	sadd.s32 s8, s6;
	s30 =	sadd.s32 s9, s10  }
0xd: {  	s12 =	ssub.s32 s31, s12;
	s7 =	sadd.s32 s7, s6;
	s8 =	sshrl.u32 s30, $0x3  }
0xe: {  	s9 =	sadd.s32 $0xB800, s11;
	s11 =	smax.u32 s12, $0x1;
	s12 =	simm.s32 $0x2800  }
0xf: {  	s13 =	sadd.s32 s8, s6;
	s6 =	sadd.s32 $0x15E00, s7;
	s7 =	sadd.s32 $0x1800, s7  }
0x10: {  	s8 =	sor.u32 $0x1C01, s23;
	s23 =	sor.u32 $0x1C03, s23;
	s10 =	sadd.s32 $0x20800, s13  }
0x11: {  	s13 =	sshrl.u32 s14, $0x3;
	s14 =	sshrl.u32 s15, $0x3;
	s15 =	simm.s32 $0x1  }
.LBB2_1:
0x12: {  	[tilespmem:s4], [sflag:$0x1] =	stream.linear.gather [hbm4b:s6+s4], $0x2800, $0x38;
	[tilespmem:$0x11000] =	vst v63  }
0x13: {  	_ = 	snop  }
0x14: {  	[tilespmem:s12], [sflag:$0x1] =	stream.linear.gather [hbm4b:s7+s4], $0x2800, $0x38;
	[tilespmem:$0x11000] =	vst v63  }
0x15: {  	[spmem:s13], [sflag:s8] =	dma.local [hbm:s5], $0xA00  }
0x16: {  	[spmem:s14], [sflag:s8] =	dma.local [hbm:s9], $0xA00  }
0x17: {  	_ =	swait.ge [sflag:s15], $0x2800  }
0x18: {  	[sflag:s15] =	ssyncset.done $0x0  }
0x19: {  	[sflag:s15] =	ssyncadd.s32 $0xFFFFD800  }
0x1a: {  	_ =	swait.ge [sflag:s15], $0x2800  }
0x1b: {  	[sflag:s15] =	ssyncset.done $0x0  }
0x1c: {  	[sflag:s15] =	ssyncadd.s32 $0xFFFFD800  }
0x1d: {  	_ =	swait.ge [sflag:s15], $0xA00  }
0x1e: {  	[sflag:s15] =	ssyncset.done $0x0  }
0x1f: {  	[sflag:s15] =	ssyncadd.s32 $0xFFFFF600  }
0x20: {  	_ =	swait.ge [sflag:s15], $0xA00  }
0x21: {  	[sflag:s15] =	ssyncset.done $0x0  }
0x22: {  	[sflag:s15] =	ssyncadd.s32 $0xFFFFF600  }
0x23: {  	[bflag:$0x0] =	sbarrier.arrive $0xFFFF  }
0x24: {  	[tilespmem:s17], [sflag:$0x1] =	stream.indirect.gather [spmem:s3], $0x20, s4, s16, $0xb8;
	[tilespmem:$0x11000] =	vst v63  }
0x25: {  	_ = 	snop  }
0x26: {  	[tilespmem:s18], [sflag:$0x2] =	stream.indirect.gather [spmem:s3], $0x20, s16, s16, $0xb8;
	[tilespmem:$0x11000] =	vst v63  }
0x27: {  	_ =	swait.ge [sflag:s15], $0x1000  }
0x28: {  	[sflag:s15] =	ssyncset.done $0x0  }
0x29: {  	s25 =	simm.s32 $0x2800;
	[sflag:s15] =	ssyncadd.s32 $0xFFFFF000  }
0x2a: {  	[spmem:s2] =	stream.indirect.scatter.add.f32 [tilespmem:s17], [sflag:$0x3], $0x20, s25, s16, $0xb8;
	[tilespmem:$0x11000] =	vst v63  }
0x2b: {  	_ =	swait.ge [sflag:s19], $0x1000  }
0x2c: {  	[sflag:s19] =	ssyncset.done $0x0  }
0x2d: {  	s30 =	simm.s32 $0x100;
	[sflag:s19] =	ssyncadd.s32 $0xFFFFF000  }
0x2e: {  	[tilespmem:s17], [sflag:$0x1] =	stream.indirect.gather [spmem:s3], $0x20, s30, s16, $0xb8;
	[tilespmem:$0x11000] =	vst v63  }
0x2f: {  	_ =	swait.ge [sflag:s20], $0x1000  }
0x30: {  	[sflag:s20] =	ssyncset.done $0x0  }
0x31: {  	s31 =	simm.s32 $0x2880;
	[sflag:s20] =	ssyncadd.s32 $0xFFFFF000  }
0x32: {  	[spmem:s2] =	stream.indirect.scatter.add.f32 [tilespmem:s18], [sflag:$0x3], $0x20, s31, s16, $0xb8;
	[tilespmem:$0x11000] =	vst v63  }
0x33: {  	_ =	swait.ge [sflag:s19], $0x1000  }
0x34: {  	[sflag:s19] =	ssyncset.done $0x0  }
0x35: {  	s26 =	simm.s32 $0x180;
	s25 =	simm.s32 $0x400;
	[sflag:s19] =	ssyncadd.s32 $0xFFFFF000  }
.LBB2_2:
0x36: {  	[tilespmem:s18], [sflag:$0x2] =	stream.indirect.gather [spmem:s3], $0x20, s26, s16, $0xb8;
	[tilespmem:$0x11000] =	vst v63  }
0x37: {  	s26 =	smov.u32 s25  }
0x38: {  	p0 =	sne.s32 s25, $0x9800;
	s25 =	sadd.s32 $0x400, s25;
	_ =	swait.ge [sflag:s15], $0x1000  }
0x39: {  	s26 =	sshra.s32 s26, $0x2;
	[sflag:s15] =	ssyncset.done $0x0  }
0x3a: {  	s28 =	sadd.s32 $0x2800, s26;
	[sflag:s15] =	ssyncadd.s32 $0xFFFFF000  }
0x3b: {  	[spmem:s2] =	stream.indirect.scatter.add.f32 [tilespmem:s17], [sflag:$0x3], $0x20, s28, s16, $0xb8;
	[tilespmem:$0x11000] =	vst v63  }
0x3c: {  	_ =	swait.ge [sflag:s19], $0x1000  }
0x3d: {  	[sflag:s19] =	ssyncset.done $0x0  }
0x3e: {  	s28 =	sadd.s32 $0x100, s26;
	[sflag:s19] =	ssyncadd.s32 $0xFFFFF000  }
0x3f: {  	[tilespmem:s17], [sflag:$0x1] =	stream.indirect.gather [spmem:s3], $0x20, s28, s16, $0xb8;
	[tilespmem:$0x11000] =	vst v63  }
0x40: {  	_ =	swait.ge [sflag:s20], $0x1000  }
0x41: {  	[sflag:s20] =	ssyncset.done $0x0  }
.Ltmp0:
0x42: {  	s28 =	sadd.s32 $0x2880, s26;
	[sflag:s20] =	ssyncadd.s32 $0xFFFFF000;
	(pc) =	sbr.rel @p0 .LBB2_2-.Ltmp0, $4  }
0x43: {  	[spmem:s2] =	stream.indirect.scatter.add.f32 [tilespmem:s18], [sflag:$0x3], $0x20, s28, s16, $0xb8;
	[tilespmem:$0x11000] =	vst v63  }
0x44: {  	_ =	swait.ge [sflag:s19], $0x1000  }
0x45: {  	[sflag:s19] =	ssyncset.done $0x0  }
0x46: {  	s26 =	sadd.s32 $0x180, s26;
	[sflag:s19] =	ssyncadd.s32 $0xFFFFF000  }
0x47: {  	[tilespmem:s18], [sflag:$0x2] =	stream.indirect.gather [spmem:s3], $0x20, s26, s16, $0xb8;
	[tilespmem:$0x11000] =	vst v63  }
0x48: {  	_ =	swait.ge [sflag:s15], $0x1000  }
0x49: {  	[sflag:s15] =	ssyncset.done $0x0  }
0x4a: {  	[sflag:s15] =	ssyncadd.s32 $0xFFFFF000  }
0x4b: {  	[spmem:s2] =	stream.indirect.scatter.add.f32 [tilespmem:s17], [sflag:$0x3], $0x20, s21, s16, $0xb8;
	[tilespmem:$0x11000] =	vst v63  }
0x4c: {  	_ =	swait.ge [sflag:s19], $0x1000  }
0x4d: {  	[sflag:s19] =	ssyncset.done $0x0  }
0x4e: {  	[sflag:s19] =	ssyncadd.s32 $0xFFFFF000  }
0x4f: {  	_ =	swait.ge [sflag:s20], $0x1000  }
0x50: {  	[sflag:s20] =	ssyncset.done $0x0  }
0x51: {  	[sflag:s20] =	ssyncadd.s32 $0xFFFFF000  }
0x52: {  	[spmem:s2] =	stream.indirect.scatter.add.f32 [tilespmem:s18], [sflag:$0x3], $0x20, s22, s16, $0xb8;
	[tilespmem:$0x11000] =	vst v63  }
0x53: {  	_ =	swait.ge [sflag:s19], $0x1000  }
0x54: {  	s24 =	sadd.s32 $0x1, s24;
	[sflag:s19] =	ssyncset.done $0x0  }
0x55: {  	p0 =	sne.s32 s24, s11;
	[sflag:s19] =	ssyncadd.s32 $0xFFFFF000  }
.Ltmp1:
0x56: {  	[bflag:$0x0] =	sbarrier.arrive $0xFFFF;
	(pc) =	sbr.rel @p0 .LBB2_1-.Ltmp1, $4  }
0x57: {  	[hbm:s10], [sflag:s23] =	dma.local [spmem:s13], $0xA00  }
0x58: {  	_ =	swait.ge [sflag:s19], $0xA00  }
0x59: {  	[sflag:s19] =	ssyncset.done $0x0  }
0x5a: {  	[sflag:s19] =	ssyncadd.s32 $0xFFFFF600  }
0x5b: {  	_ =	sfence.sel $0x180000  }
0x5c: {  	[bflag:$0x0] =	sbarrier.arrive $0xFFFF  }
0x5d: {  	p0 =	sne.s32 s0, $0x0;
	_ =	strace $0x9000004D  }
0x5e: {  	s0 =	sadd.s32 @!p0 $0x100000, s1;
	[bflag:$0x2] =	sbarrier.arrive $0xFFFF  }
0x5f: {  	[sflag:s0] =	ssyncadd.tile.s32 @!p0 $0x1;
	_ =	shalt  }
.Lfunc_end2:
_tile_overlayer_lowered:
.L_overlay_start_2:
0x60: {  	(tag) =	ssettag $0x2  }
0x61: {  	s0 =	rddreg [dreg:$0x0];
	s2 =	stileid.u32  }
0x62: {  	s1 =	rddreg [dreg:$0x1];
	p0 =	sne.s32 s2, $0x0  }
0x63: {  	s3 =	rddreg [dreg:$0x2];
	[bflag:$0x3] =	sbarrier.arrive $0xFFFF;
	s2 =	simm.s32 @!p0 $0x1C03  }
0x64: {  	[timem:s3], [sflag:s2] =	dma.local @!p0 [hbm:s0], s1  }
0x65: {  	s0 =	simm.s32 @!p0 $0x3  }
0x66: {  	_ =	swait.ge @!p0 [sflag:s0], s1  }
0x67: {  	s1 =	ssub.s32 @!p0 $0x0, s1;
	[sflag:s0] =	ssyncset.done @!p0 $0x0  }
0x68: {  	[sflag:s0] =	ssyncadd.s32 @!p0 s1  }
0x69: {  	[bflag:$0x3] =	sbarrier.arrive $0xFFFF  }
0x6a: {  	_ =	shalt  }

// kernel: kernel.8.cloned.1.call-start
scs
__scs_entry_jumppad:
0x0: {  	(pc) =	sbr.rel $0x88, $3  }
0x1: {  	(tag) =	ssettag $0x0;
	lr =	simm.s32 $0x1  }
0x2: {  	[smem:$0x3F9A] =	sst lr;
	_ =	strace $0xD0000000  }
0x3: {  	_ = 	snop  }
0x4: {  	_ = 	snop  }
0x5: {  	_ = 	snop  }
0x6: {  	_ = 	snop  }
0x7: {  	_ = 	snop  }
__scs_overlays_trampoline_lowered:
0x8: {  	[smem:$0x3FA9] =	sst s0  }
0x9: {  	[smem:$0x3FAA] =	sst s1  }
0xa: {  	[smem:$0x3FAB] =	sst s2  }
0xb: {  	[smem:$0x3FAC] =	sst s3  }
0xc: {  	[smem:$0x3FAD] =	sst s4  }
0xd: {  	[smem:$0x3FAE] =	sst s5  }
0xe: {  	[smem:$0x3FAF] =	sst s6  }
0xf: {  	[smem:$0x3FB0] =	sst s7  }
0x10: {  	[smem:$0x3FB1] =	sst s8  }
0x11: {  	[smem:$0x3FB2] =	sst s9;
	s0 =	simm.s32 @!p0 $0x0  }
0x12: {  	s1 =	sld [smem:$0x3F98];
	s0 =	simm.s32 @p0 $0x1  }
0x13: {  	[smem:$0x3FB3] =	sst s0;
	s0 =	simm.s32 @!p1 $0x0  }
0x14: {  	s2 =	sld [smem:$0x3F97];
	s0 =	simm.s32 @p1 $0x1  }
0x15: {  	[smem:$0x3FB4] =	sst s0;
	s0 =	simm.s32 @!p2 $0x0  }
0x16: {  	s3 =	sld [smem:$0x3FDB];
	s0 =	simm.s32 @p2 $0x1  }
0x17: {  	s4 =	simm.s32 $0x1BF5;
	[smem:$0x3FB6] =	sst s0  }
0x18: {  	s0 =	sld [smem:$0x3F99];
	_ =	swait.ge [sflag:s4], $0x0  }
0x19: {  	s7 =	sld [smem:$0x3F9A]  }
0x1a: {  	s8 =	sadd.s32 $0xFFFFE003, lr  }
0x1b: {  	s9 =	sadd.s32 $0xFFFFFEF7, lr;
	s5 =	simm.s32 $0xFFFFFFFF;
	p2 =	slt.u32 s8, $0xFFFFF086  }
0x1c: {  	p1 =	slt.u32 s9, $0xF7A;
	s5 =	simm.s32 @!p2 $0x0  }
0x1d: {  	s5 =	simm.s32 @p1 $0x1;
	p0 =	seq.s32 s7, s2  }
0x1e: {  	s7 =	smul.u32 @!p0 $0xF7A, s2;
	p2 =	seq.s32 @!p0 s5, $0x0  }
0x1f: {  	s9 =	smul.u32 $0xF7A, s1;
	s8 =	simm.s32 @!p0 $0x1BF5;
	p2 =	por !p2, p0  }
0x20: {  	[sflag:s8] =	ssyncset.s32 @!p0 $0xFFFFF086;
	s6 =	sadd.s32 @!p0 s3, s7;
	s7 =	simm.s32 @!p0 $0x108  }
0x21: {  	s3 =	sadd.s32 s3, s9;
	s6 =	sadd.s32 @!p0 $0x88, s6;
	s7 =	simm.s32 @p2 $0x1082  }
0x22: {  	[simem:s7], [sflag:s8] =	dma.local @!p0 [hbm:s6], $0xF7A  }
0x23: {  	s9 =	sor.u32 $0xD0000000, s2;
	s6 =	simm.s32 $0x108;
	_ =	swait.ge @!p0 [sflag:s8], $0x0  }
0x24: {  	s3 =	sadd.s32 $0x88, s3;
	s6 =	simm.s32 @!p1 $0x1082;
	[sflag:s4] =	ssyncset.s32 $0xFFFFF086  }
0x25: {  	[simem:s6], [sflag:s4] =	dma.local [hbm:s3], $0xF7A  }
0x26: {  	[smem:$0x3F9A] =	sst s1;
	(tag) =	ssettag s2;
	_ =	strace s9  }
0x27: {  	s1 =	sld [smem:$0x3FAA]  }
0x28: {  	s2 =	sld [smem:$0x3FAB]  }
0x29: {  	s4 =	sld [smem:$0x3FAD]  }
0x2a: {  	p0 =	seq.s32 s5, $0x0;
	s5 =	sld [smem:$0x3FAE]  }
0x2b: {  	s6 =	sld [smem:$0x3FAF]  }
0x2c: {  	s7 =	sld [smem:$0x3FB0]  }
0x2d: {  	s3 =	simm.s32 $0x108;
	s8 =	sld [smem:$0x3FB1]  }
0x2e: {  	s3 =	simm.s32 @!p0 $0x1082;
	s9 =	sld [smem:$0x3FB2]  }
0x2f: {  	lr =	sadd.s32 s0, s3;
	s0 =	sld [smem:$0x3FA9]  }
0x30: {  	s3 =	sld [smem:$0x3FAC]  }
0x31: {  	[smem:$0x3FB5] =	sst s10  }
0x32: {  	s10 =	sld [smem:$0x3FB3];
	_ =	sdelay $0x3  }
0x33: {  	p0 =	seq.s32 s10, $0x1;
	s10 =	sld [smem:$0x3FB5];
	_ =	sdelay $0x3  }
0x34: {  	[smem:$0x3FB5] =	sst s10  }
0x35: {  	s10 =	sld [smem:$0x3FB4];
	_ =	sdelay $0x3  }
0x36: {  	p1 =	seq.s32 s10, $0x1;
	s10 =	sld [smem:$0x3FB5];
	_ =	sdelay $0x3  }
0x37: {  	[smem:$0x3FB5] =	sst s10  }
0x38: {  	s10 =	sld [smem:$0x3FB6]  }
0x39: {  	_ = 	snop;
	(pc) =	sbr.ind lr, $3  }
0x3a: {  	_ = 	snop  }
0x3b: {  	_ = 	snop  }
0x3c: {  	p2 =	seq.s32 s10, $0x1;
	s10 =	sld [smem:$0x3FB5]  }
0x3d: {  	_ =	shalt  }
0x3e: {  	_ =	shalt  }
0x3f: {  	_ =	shalt  }
0x40: {  	_ =	shalt  }
0x41: {  	_ =	shalt  }
0x42: {  	_ =	shalt  }
0x43: {  	_ =	shalt  }
0x44: {  	_ =	shalt  }
0x45: {  	_ =	shalt  }
0x46: {  	_ =	shalt  }
0x47: {  	_ =	shalt  }
0x48: {  	_ =	shalt  }
0x49: {  	_ =	shalt  }
0x4a: {  	_ =	shalt  }
0x4b: {  	_ =	shalt  }
0x4c: {  	_ =	shalt  }
0x4d: {  	_ =	shalt  }
0x4e: {  	_ =	shalt  }
0x4f: {  	_ =	shalt  }
0x50: {  	_ =	shalt  }
0x51: {  	_ =	shalt  }
0x52: {  	_ =	shalt  }
0x53: {  	_ =	shalt  }
0x54: {  	_ =	shalt  }
0x55: {  	_ =	shalt  }
0x56: {  	_ =	shalt  }
0x57: {  	_ =	shalt  }
0x58: {  	_ =	shalt  }
0x59: {  	_ =	shalt  }
0x5a: {  	_ =	shalt  }
0x5b: {  	_ =	shalt  }
0x5c: {  	_ =	shalt  }
0x5d: {  	_ =	shalt  }
0x5e: {  	_ =	shalt  }
0x5f: {  	_ =	shalt  }
0x60: {  	_ =	shalt  }
0x61: {  	_ =	shalt  }
0x62: {  	_ =	shalt  }
0x63: {  	_ =	shalt  }
0x64: {  	_ =	shalt  }
0x65: {  	_ =	shalt  }
0x66: {  	_ =	shalt  }
0x67: {  	_ =	shalt  }
0x68: {  	_ =	shalt  }
0x69: {  	_ =	shalt  }
0x6a: {  	_ =	shalt  }
0x6b: {  	_ =	shalt  }
0x6c: {  	_ =	shalt  }
0x6d: {  	_ =	shalt  }
0x6e: {  	_ =	shalt  }
0x6f: {  	_ =	shalt  }
0x70: {  	_ =	shalt  }
0x71: {  	_ =	shalt  }
0x72: {  	_ =	shalt  }
0x73: {  	_ =	shalt  }
0x74: {  	_ =	shalt  }
0x75: {  	_ =	shalt  }
0x76: {  	_ =	shalt  }
0x77: {  	_ =	shalt  }
0x78: {  	_ =	shalt  }
0x79: {  	_ =	shalt  }
0x7a: {  	_ =	shalt  }
0x7b: {  	_ =	shalt  }
0x7c: {  	_ =	shalt  }
0x7d: {  	_ =	shalt  }
0x7e: {  	_ =	shalt  }
0x7f: {  	_ =	shalt  }
0x80: {  	_ =	shalt  }
0x81: {  	_ =	shalt  }
0x82: {  	_ =	shalt  }
0x83: {  	_ =	shalt  }
0x84: {  	_ =	shalt  }
0x85: {  	_ =	shalt  }
0x86: {  	_ =	shalt  }
0x87: {  	_ =	shalt  }
.Lfunc_end0:
.L_simem_size_0:
called_computation_lowered:
.L_overlay_start_0:
0x88: {  	s2 =	sld [smem:$0x3FD9]  }
0x89: {  	s3 =	sld [smem:$0x3FFE];
	_ =	sdelay $0x1  }
0x8a: {  	s1 =	srdreg.scid  }
0x8b: {  	s0 =	sand.u32 $0x1, s1  }
0x8c: {  	s17 =	sshll.u32 s0, $0xA;
	s2 =	sadd.s32 s3, s2  }
0x8d: {  	s2 =	sadd.s32 s2, s17  }
0x8e: {  	[smem:$0x3FC1] =	sst s2  }
0x8f: {  	_ = 	snop  }
0x90: {  	s2 =	sld [smem:$0x3FD0];
	(tm) =	ssettm $0x1  }
0x91: {  	s18 =	sld [smem:$0x3FFB];
	_ =	sdelay $0x3  }
0x92: {  	_ =	strace s18  }
0x93: {  	s3 =	sld [smem:$0x3FFC];
	_ =	sdelay $0x3  }
0x94: {  	_ =	strace s3  }
0x95: {  	s3 =	sld [smem:$0x3FFD];
	_ =	sdelay $0x3  }
0x96: {  	_ =	strace s3  }
0x97: {  	_ =	strace $0x8FFFFFFF  }
0x98: {  	s19 =	sld [smem:$0x3FDB];
	_ =	sdelay $0x1  }
0x99: {  	s4 =	simm.s32 $_scs_section_size  }
0x9a: {  	s5 =	simm.s32 $_size__tile_overlayer_lowered;
	s6 =	simm.s32 $_tile_overlayer_lowered  }
0x9b: {  	s22 =	simm.s32 $0x1BFF;
	s21 =	sshll.u32 s6, $0x1;
	s3 =	sadd.s32 s4, s19  }
0x9c: {  	s7 =	simm.s32 $0x0;
	s20 =	sshll.u32 s5, $0x1;
	s5 =	sadd.s32 s21, s3  }
0x9d: {  	[timem:s7], [sflag:s22] =	dma.local [hbm:s5], s20  }
0x9e: {  	_ =	swait.ge [sflag:s22], s20  }
0x9f: {  	s4 =	ssub.s32 $0x0, s20;
	[sflag:s22] =	ssyncset.done $0x0  }
0xa0: {  	[sflag:s22] =	ssyncadd.s32 s4;
	_ =	sdelay $0x1  }
0xa1: {  	s23 =	simm.s32 $0x1B8B  }
0xa2: {  	_ =	swait.ge [sflag:s23], $0x1  }
0xa3: {  	[sflag:s23] =	ssyncset.done $0x0  }
0xa4: {  	s25 =	simm.s32 $0x1B8E;
	s24 =	sld [smem:$0x3FFE];
	[sflag:s23] =	ssyncadd.s32 $0xFFFFFFFF  }
0xa5: {  	s26 =	simm.s32 $execute0_lowered;
	[smem:$0x3FD2] =	sst s25  }
0xa6: {  	s5 =	sshll.u32 s26, $0x1;
	_ =	strace $0x80000046;
	[dreg:$0x1] =	wrdreg $0xFFFFFFFF  }
0xa7: {  	s28 =	simm.s32 $_size_execute0_lowered;
	s3 =	sadd.s32 s3, s5;
	[dreg:$0x0] =	wrdreg $0x0  }
0xa8: {  	s5 =	sshll.u32 s28, $0x1;
	[dreg:$0x2] =	wrdreg s3  }
0xa9: {  	[dreg:$0x3] =	wrdreg s5  }
0xaa: {  	[dreg:$0x4] =	wrdreg $0xC0  }
0xab: {  	_ =	task [dreg:s7], $0x5FFFF  }
0xac: {  	[dreg:$0x1] =	wrdreg $0xFFFFFFFF  }
0xad: {  	[dreg:$0x0] =	wrdreg $0x60  }
0xae: {  	[dreg:$0x2] =	wrdreg s24  }
0xaf: {  	[dreg:$0x3] =	wrdreg s2  }
0xb0: {  	[dreg:$0x4] =	wrdreg $0x30000  }
0xb1: {  	[dreg:$0x5] =	wrdreg $0x9  }
0xb2: {  	_ =	task.clear_ibuf [dreg:s7], $0x6FFFF;
	_ =	strace $0x90000046  }
0xb3: {  	s29 =	simm.s32 $0x9;
	_ =	strace $0x80000048  }
0xb4: {  	_ =	swait.ge [sflag:s29], $0x1  }
0xb5: {  	[sflag:s29] =	ssyncadd.s32 $0xFFFFFFFF  }
0xb6: {  	_ =	strace $0x90000048  }
0xb7: {  	_ =	sfence  }
0xb8: {  	s30 =	sld [smem:$0x0];
	_ =	sdelay $0x2  }
0xb9: {  	s31 =	sshll.u32 s1, $0xD;
	s1 =	sshrl.u32 s1, $0x2  }
0xba: {  	s3 =	sand.u32 $0x4000, s31;
	s1 =	sadd.s32 s1, s30  }
0xbb: {  	s0 =	sor.u32 s3, s0;
	s1 =	sshll.u32 s1, $0x11  }
0xbc: {  	s0 =	sor.u32 s1, s0  }
0xbd: {  	s0 =	sadd.s32 $0x8F2B, s0  }
0xbe: {  	[sflag:s0] =	ssyncadd.remote.s32 $0x1  }
0xbf: {  	_ =	sfence.sel $0xFFFF  }
0xc0: {  	[dreg:$0x0] =	wrdreg $0xFFFFFFFF;
	(pc) =	sbr.abs _section_cstart, $3  }
0xc1: {  	[dreg:$0x1] =	wrdreg $0xFFFFFFFF  }
0xc2: {  	_ =	task.clear_ibuf [dreg:s7], $0x2FFFF;
	_ =	strace $0x9FFFFFFF  }
0xc3: {  	(tm) =	ssettm $0x7FFFFFFF  }
tec
execute0_lowered:
.L_overlay_start_1:
0x0: {  	(tag) =	ssettag $0x1  }
0x1: {  	s6 =	rddreg [dreg:$0x0]  }
0x2: {  	s1 =	srdreg.scid;
	s2 =	rddreg [dreg:$0x1]  }
0x3: {  	s0 =	stileid.u32;
	s3 =	rddreg [dreg:$0x2];
	s4 =	simm.s32 $0x0  }
0x4: {  	s12 =	simm.s32 $0x1;
	s13 =	simm.s32 $0x80;
	s15 =	simm.s32 $0x2  }
0x5: {  	s16 =	simm.s32 $0x0;
	s5 =	sand.u32 $0x1, s1;
	s30 =	sshll.u32 s0, $0x1  }
0x6: {  	s8 =	smul.u32 $0x2800, s0;
	[smem:$0x7FF] =	sst s4;
	s14 =	sshll.u32 s0, $0x6  }
0x7: {  	s1 =	sor.u32 s5, s30;
	s9 =	smul.u32 $0x28000, s5;
	s10 =	ssub.s32 $0x2, s5  }
0x8: {  	s5 =	sadd.s32 $0xB800, s6;
	s7 =	smul.u32 $0x500, s1;
	s1 =	rddreg [dreg:$0x3]  }
0x9: {  	_ =	strace $0x80000047;
	s11 =	sshrl.u32 s10, $0x1;
	s9 =	sadd.s32 s8, s9  }
0xa: {  	s31 =	sadd.s32 s8, s3;
	s10 =	ssub.s32 s10, s11;
	s9 =	sshrl.u32 s9, $0x3  }
0xb: {  	s11 =	simm.s32 $0x800;
	s7 =	sadd.s32 s7, s6;
	s9 =	sadd.s32 s9, s6  }
0xc: {  	s6 =	sor.u32 $0x1C01, s14;
	s7 =	sadd.s32 $0x1800, s7;
	s14 =	sor.u32 $0x1C02, s14  }
0xd: {  	s8 =	sadd.s32 $0xBE00, s9;
	s9 =	smax.u32 s10, $0x1;
	s10 =	sshrl.u32 s31, $0x3  }
.LBB2_1:
0xe: {  	[spmem:s10], [sflag:s6] =	dma.local [hbm:s5], $0x500  }
0xf: {  	[tilespmem:s4], [sflag:$0x1] =	stream.linear.gather [hbm4b:s2+s4], $0x800, $0x38;
	[tilespmem:$0x5800] =	vst v63  }
0x10: {  	_ = 	snop  }
0x11: {  	[tilespmem:s11], [sflag:$0x1] =	stream.linear.gather [hbm4b:s7+s4], $0x2800, $0x38;
	[tilespmem:$0x5800] =	vst v63  }
0x12: {  	_ =	swait.ge [sflag:s12], $0x500  }
0x13: {  	[sflag:s12] =	ssyncset.done $0x0  }
0x14: {  	[sflag:s12] =	ssyncadd.s32 $0xFFFFFB00  }
0x15: {  	_ =	swait.ge [sflag:s12], $0x800  }
0x16: {  	[sflag:s12] =	ssyncset.done $0x0  }
0x17: {  	[sflag:s12] =	ssyncadd.s32 $0xFFFFF800  }
0x18: {  	_ =	swait.ge [sflag:s12], $0x2800  }
0x19: {  	[sflag:s12] =	ssyncset.done $0x0  }
0x1a: {  	[sflag:s12] =	ssyncadd.s32 $0xFFFFD800  }
0x1b: {  	s17 =	simm.s32 $0x800;
	[bflag:$0x0] =	sbarrier.arrive $0xFFFF  }
0x1c: {  	[spmem:s3] =	stream.indirect.scatter.add.f32 [tilespmem:s4], [sflag:$0x1], $0x10, s17, s13, $0xb8;
	[tilespmem:$0x5800] =	vst v63  }
0x1d: {  	s29 =	simm.s32 $0x880  }
0x1e: {  	[spmem:s3] =	stream.indirect.scatter.add.f32 [tilespmem:s4], [sflag:$0x1], $0x10, s29, s13, $0xb8;
	[tilespmem:$0x5800] =	vst v63  }
0x1f: {  	s30 =	simm.s32 $0x900  }
0x20: {  	[spmem:s3] =	stream.indirect.scatter.add.f32 [tilespmem:s4], [sflag:$0x1], $0x10, s30, s13, $0xb8;
	[tilespmem:$0x5800] =	vst v63  }
0x21: {  	s31 =	simm.s32 $0x980  }
0x22: {  	[spmem:s3] =	stream.indirect.scatter.add.f32 [tilespmem:s4], [sflag:$0x1], $0x10, s31, s13, $0xb8;
	[tilespmem:$0x5800] =	vst v63  }
0x23: {  	_ =	swait.ge [sflag:s12], $0x800  }
0x24: {  	[sflag:s12] =	ssyncset.done $0x0  }
0x25: {  	[sflag:s12] =	ssyncadd.s32 $0xFFFFF800  }
0x26: {  	_ =	swait.ge [sflag:s12], $0x800  }
0x27: {  	[sflag:s12] =	ssyncset.done $0x0  }
0x28: {  	[sflag:s12] =	ssyncadd.s32 $0xFFFFF800  }
0x29: {  	_ =	swait.ge [sflag:s12], $0x800  }
0x2a: {  	[sflag:s12] =	ssyncset.done $0x0  }
0x2b: {  	[sflag:s12] =	ssyncadd.s32 $0xFFFFF800  }
0x2c: {  	_ =	swait.ge [sflag:s12], $0x800  }
0x2d: {  	s18 =	simm.s32 $0x1000;
	s17 =	simm.s32 $0x200;
	[sflag:s12] =	ssyncset.done $0x0  }
.LBB2_2:
0x2e: {  	s19 =	sadd.s32 $0x800, s17  }
0x2f: {  	[sflag:s12] =	ssyncadd.s32 $0xFFFFF800;
	s20 =	smov.u32 s18;
	s21 =	sadd.s32 $0x800, s18  }
0x30: {  	[spmem:s3] =	stream.indirect.scatter.add.f32 [tilespmem:s4], [sflag:$0x1], $0x10, s19, s13, $0xb8;
	[tilespmem:$0x5800] =	vst v63  }
0x31: {  	p0 =	sne.s32 s18, $0x9800;
	s18 =	sadd.s32 $0x880, s17  }
0x32: {  	[spmem:s3] =	stream.indirect.scatter.add.f32 [tilespmem:s4], [sflag:$0x1], $0x10, s18, s13, $0xb8;
	[tilespmem:$0x5800] =	vst v63  }
0x33: {  	s18 =	sadd.s32 $0x900, s17  }
0x34: {  	[spmem:s3] =	stream.indirect.scatter.add.f32 [tilespmem:s4], [sflag:$0x1], $0x10, s18, s13, $0xb8;
	[tilespmem:$0x5800] =	vst v63  }
0x35: {  	s17 =	sadd.s32 $0x980, s17  }
0x36: {  	[spmem:s3] =	stream.indirect.scatter.add.f32 [tilespmem:s4], [sflag:$0x1], $0x10, s17, s13, $0xb8;
	[tilespmem:$0x5800] =	vst v63  }
0x37: {  	_ =	swait.ge [sflag:s12], $0x800  }
0x38: {  	[sflag:s12] =	ssyncset.done $0x0  }
0x39: {  	[sflag:s12] =	ssyncadd.s32 $0xFFFFF800  }
0x3a: {  	_ =	swait.ge [sflag:s12], $0x800  }
0x3b: {  	[sflag:s12] =	ssyncset.done $0x0  }
0x3c: {  	[sflag:s12] =	ssyncadd.s32 $0xFFFFF800  }
.Ltmp0:
0x3d: {  	_ =	swait.ge [sflag:s12], $0x800;
	(pc) =	sbr.rel @p0 .LBB2_2-.Ltmp0, $4  }
0x3e: {  	[sflag:s12] =	ssyncset.done $0x0  }
0x3f: {  	[sflag:s12] =	ssyncadd.s32 $0xFFFFF800  }
0x40: {  	_ =	swait.ge [sflag:s12], $0x800  }
0x41: {  	s18 =	smov.u32 s21;
	s17 =	sshra.s32 s20, $0x2;
	[sflag:s12] =	ssyncset.done $0x0  }
0x42: {  	s18 =	sadd.s32 $0x800, s17;
	[sflag:s12] =	ssyncadd.s32 $0xFFFFF800  }
0x43: {  	[spmem:s3] =	stream.indirect.scatter.add.f32 [tilespmem:s4], [sflag:$0x1], $0x10, s18, s13, $0xb8;
	[tilespmem:$0x5800] =	vst v63  }
0x44: {  	s29 =	sadd.s32 $0x880, s17  }
0x45: {  	[spmem:s3] =	stream.indirect.scatter.add.f32 [tilespmem:s4], [sflag:$0x1], $0x10, s29, s13, $0xb8;
	[tilespmem:$0x5800] =	vst v63  }
0x46: {  	s30 =	sadd.s32 $0x900, s17  }
0x47: {  	[spmem:s3] =	stream.indirect.scatter.add.f32 [tilespmem:s4], [sflag:$0x1], $0x10, s30, s13, $0xb8;
	[tilespmem:$0x5800] =	vst v63  }
0x48: {  	s31 =	sadd.s32 $0x980, s17  }
0x49: {  	[spmem:s3] =	stream.indirect.scatter.add.f32 [tilespmem:s4], [sflag:$0x1], $0x10, s31, s13, $0xb8;
	[tilespmem:$0x5800] =	vst v63  }
0x4a: {  	_ =	swait.ge [sflag:s12], $0x800  }
0x4b: {  	[sflag:s12] =	ssyncset.done $0x0  }
0x4c: {  	[sflag:s12] =	ssyncadd.s32 $0xFFFFF800  }
0x4d: {  	_ =	swait.ge [sflag:s12], $0x800  }
0x4e: {  	[sflag:s12] =	ssyncset.done $0x0  }
0x4f: {  	[sflag:s12] =	ssyncadd.s32 $0xFFFFF800  }
0x50: {  	_ =	swait.ge [sflag:s12], $0x800  }
0x51: {  	[sflag:s12] =	ssyncset.done $0x0  }
0x52: {  	[sflag:s12] =	ssyncadd.s32 $0xFFFFF800  }
0x53: {  	_ =	swait.ge [sflag:s12], $0x800  }
0x54: {  	s16 =	sadd.s32 $0x1, s16;
	[sflag:s12] =	ssyncset.done $0x0  }
0x55: {  	p0 =	sne.s32 s16, s9;
	[sflag:s12] =	ssyncadd.s32 $0xFFFFF800  }
.Ltmp1:
0x56: {  	[bflag:$0x0] =	sbarrier.arrive $0xFFFF;
	(pc) =	sbr.rel @p0 .LBB2_1-.Ltmp1, $4  }
0x57: {  	[hbm:s8], [sflag:s14] =	dma.local [spmem:s10], $0x500  }
0x58: {  	_ =	swait.ge [sflag:s15], $0x500  }
0x59: {  	[sflag:s15] =	ssyncset.done $0x0  }
0x5a: {  	[sflag:s15] =	ssyncadd.s32 $0xFFFFFB00  }
0x5b: {  	_ =	sfence.sel $0x180000  }
0x5c: {  	[bflag:$0x0] =	sbarrier.arrive $0xFFFF  }
0x5d: {  	p0 =	sne.s32 s0, $0x0;
	_ =	strace $0x90000047  }
0x5e: {  	s0 =	sadd.s32 @!p0 $0x100000, s1;
	[bflag:$0x2] =	sbarrier.arrive $0xFFFF  }
0x5f: {  	[sflag:s0] =	ssyncadd.tile.s32 @!p0 $0x1;
	_ =	shalt  }
.Lfunc_end2:
_tile_overlayer_lowered:
.L_overlay_start_2:
0x60: {  	(tag) =	ssettag $0x2  }
0x61: {  	s0 =	rddreg [dreg:$0x0];
	s2 =	stileid.u32  }
0x62: {  	s1 =	rddreg [dreg:$0x1];
	p0 =	sne.s32 s2, $0x0  }
0x63: {  	s3 =	rddreg [dreg:$0x2];
	[bflag:$0x3] =	sbarrier.arrive $0xFFFF;
	s2 =	simm.s32 @!p0 $0x1C02  }
0x64: {  	[timem:s3], [sflag:s2] =	dma.local @!p0 [hbm:s0], s1  }
0x65: {  	s0 =	simm.s32 @!p0 $0x2  }
0x66: {  	_ =	swait.ge @!p0 [sflag:s0], s1  }
0x67: {  	s1 =	ssub.s32 @!p0 $0x0, s1;
	[sflag:s0] =	ssyncset.done @!p0 $0x0  }
0x68: {  	[sflag:s0] =	ssyncadd.s32 @!p0 s1  }
0x69: {  	[bflag:$0x3] =	sbarrier.arrive $0xFFFF  }
0x6a: {  	_ =	shalt  }

</sc_bundles>
